<compile_context>
chip_gen: v7x
topology: tpu7x:2x2x1
jax: 0.10.2.dev20260603
libtpu: 0.0.44.dev20260713+nightly
codegen_flags: <defaults>
</compile_context>

<pallas_src>
import functools

import jax
import jax.numpy as jnp
from jax.experimental import pallas as pl
from jax.experimental.pallas import tpu as pltpu

NEG_SLOPE = 0.2
EB = 1024
RWIN = 256
_INTERP = False


def _lrelu_exp(el, er):
    v = el + er
    return jnp.exp(jnp.where(v >= 0, v, NEG_SLOPE * v))


def _dense0_kernel(x_ref, w_ref, a_ref, b_ref, feat_ref, el_ref, er_ref):
    f = jnp.dot(x_ref[...], w_ref[...], preferred_element_type=jnp.float32)
    feat_ref[...] = f
    el_ref[...] = jnp.dot(f, a_ref[...], preferred_element_type=jnp.float32)
    er_ref[...] = jnp.dot(f, b_ref[...], preferred_element_type=jnp.float32)


def _dense1_kernel(r_ref, bias_ref, w_ref, a_ref, b_ref, rw_ref,
                   feat_ref, el_ref, er_ref, res_ref):
    h = jnp.maximum(r_ref[...] + bias_ref[...], 0.0)
    f = jnp.dot(h, w_ref[...], preferred_element_type=jnp.float32)
    feat_ref[...] = f
    el_ref[...] = jnp.dot(f, a_ref[...], preferred_element_type=jnp.float32)
    er_ref[...] = jnp.dot(f, b_ref[...], preferred_element_type=jnp.float32)
    res_ref[...] = jnp.dot(h, rw_ref[...], preferred_element_type=jnp.float32)


def _onehot(dst_blk, base):
    local = dst_blk - base
    iota = jax.lax.broadcasted_iota(jnp.int32, (EB, RWIN), 1)
    return (local == iota).astype(jnp.float32)


def _denom_kernel(bases_ref, el_ref, er_ref, dst_ref, out_ref):
    b = pl.program_id(0)

    @pl.when(b == 0)
    def _():
        out_ref[...] = jnp.zeros_like(out_ref)

    base = bases_ref[b]
    ex = _lrelu_exp(el_ref[...], er_ref[...])
    oh = _onehot(dst_ref[...], base)
    contrib = jax.lax.dot_general(
        oh, ex, (((0,), (0,)), ((), ())), preferred_element_type=jnp.float32)
    out_ref[pl.ds(base, RWIN), :] = out_ref[pl.ds(base, RWIN), :] + contrib


def _agg0_kernel(bases_ref, el_ref, er_ref, dn_ref, dst_ref, fs_ref, p_ref,
                 out_ref):
    b = pl.program_id(1)

    @pl.when(b == 0)
    def _():
        out_ref[...] = jnp.zeros_like(out_ref)

    base = bases_ref[b]
    ex = _lrelu_exp(el_ref[...], er_ref[...])
    alpha = ex / (dn_ref[...] + 1e-16)
    aexp = jnp.dot(alpha, p_ref[...], preferred_element_type=jnp.float32)
    msg = fs_ref[...] * aexp
    oh = _onehot(dst_ref[...], base)
    contrib = jax.lax.dot_general(
        oh, msg, (((0,), (0,)), ((), ())), preferred_element_type=jnp.float32)
    out_ref[pl.ds(base, RWIN), :] = out_ref[pl.ds(base, RWIN), :] + contrib


def _agg1_kernel(n_nodes, nblk, bases_ref, el_ref, er_ref, dn_ref, dst_ref,
                 fs_ref, res_ref, bias_ref, out_ref):
    b = pl.program_id(0)

    @pl.when(b == 0)
    def _():
        out_ref[...] = jnp.zeros_like(out_ref)

    base = bases_ref[b]
    ex = _lrelu_exp(el_ref[...], er_ref[...])
    alpha = ex / (dn_ref[...] + 1e-16)
    msg = fs_ref[...] * alpha
    oh = _onehot(dst_ref[...], base)
    contrib = jax.lax.dot_general(
        oh, msg, (((0,), (0,)), ((), ())), preferred_element_type=jnp.float32)
    out_ref[pl.ds(base, RWIN), :] = out_ref[pl.ds(base, RWIN), :] + contrib

    @pl.when(b == nblk - 1)
    def _():
        out_ref[0:n_nodes, :] = (
            out_ref[0:n_nodes, :] + res_ref[...] + bias_ref[...])


def _head_mats(al, ar):
    h, fo = al.shape
    rows = jnp.arange(h * fo)
    cols = jnp.repeat(jnp.arange(h), fo)
    a = jnp.zeros((h * fo, h), jnp.float32).at[rows, cols].set(al.reshape(-1))
    b = jnp.zeros((h * fo, h), jnp.float32).at[rows, cols].set(ar.reshape(-1))
    p = jnp.zeros((h, h * fo), jnp.float32).at[cols, rows].set(1.0)
    return a, b, p


def kernel(inputs, graph, W0, al0, ar0, b0, W1, al1, ar1, b1, resW1):
    n = inputs.shape[0]
    e = graph.shape[1]
    h0, hid = al0.shape
    f0 = h0 * hid
    ncls = al1.shape[1]

    nblk = -(-e // EB)
    e_pad = nblk * EB
    src = jnp.concatenate([graph[0], jnp.zeros((e_pad - e,), jnp.int32)])
    dst = jnp.concatenate([graph[1], jnp.full((e_pad - e,), n, jnp.int32)])
    order = jnp.argsort(dst)
    src_s = jnp.take(src, order)
    dst_s = jnp.take(dst, order)
    dst_col = dst_s[:, None]
    bases = (dst_s[::EB] // 8) * 8
    n_pad = (n // 8) * 8 + RWIN

    a0m, b0m, p0m = _head_mats(al0, ar0)
    a1m, b1m, _ = _head_mats(al1, ar1)

    rt = 1000 if n % 1000 == 0 else n
    nrt = n // rt

    feat0, el0, er0 = pl.pallas_call(
        _dense0_kernel,
        grid=(nrt,),
        in_specs=[
            pl.BlockSpec((rt, inputs.shape[1]), lambda i: (i, 0)),
            pl.BlockSpec((inputs.shape[1], f0), lambda i: (0, 0)),
            pl.BlockSpec((f0, h0), lambda i: (0, 0)),
            pl.BlockSpec((f0, h0), lambda i: (0, 0)),
        ],
        out_specs=[
            pl.BlockSpec((rt, f0), lambda i: (i, 0)),
            pl.BlockSpec((rt, h0), lambda i: (i, 0)),
            pl.BlockSpec((rt, h0), lambda i: (i, 0)),
        ],
        out_shape=[
            jax.ShapeDtypeStruct((n, f0), jnp.float32),
            jax.ShapeDtypeStruct((n, h0), jnp.float32),
            jax.ShapeDtypeStruct((n, h0), jnp.float32),
        ],
        interpret=_INTERP,
    )(inputs, W0, a0m, b0m)

    el0s = jnp.take(el0, src_s, axis=0)
    er0d = jnp.take(er0, dst_s, axis=0)

    denom0 = pl.pallas_call(
        _denom_kernel,
        grid=(nblk,),
        in_specs=[
            pl.BlockSpec(memory_space=pltpu.SMEM),
            pl.BlockSpec((EB, h0), lambda b: (b, 0)),
            pl.BlockSpec((EB, h0), lambda b: (b, 0)),
            pl.BlockSpec((EB, 1), lambda b: (b, 0)),
        ],
        out_specs=pl.BlockSpec((n_pad, h0), lambda b: (0, 0)),
        out_shape=jax.ShapeDtypeStruct((n_pad, h0), jnp.float32),
        interpret=_INTERP,
    )(bases, el0s, er0d, dst_col)

    dn0 = jnp.take(denom0, dst_s, axis=0)
    fsrc0 = jnp.take(feat0, src_s, axis=0)

    ct = f0 // 128
    acc0 = pl.pallas_call(
        _agg0_kernel,
        grid=(ct, nblk),
        in_specs=[
            pl.BlockSpec(memory_space=pltpu.SMEM),
            pl.BlockSpec((EB, h0), lambda c, b: (b, 0)),
            pl.BlockSpec((EB, h0), lambda c, b: (b, 0)),
            pl.BlockSpec((EB, h0), lambda c, b: (b, 0)),
            pl.BlockSpec((EB, 1), lambda c, b: (b, 0)),
            pl.BlockSpec((EB, 128), lambda c, b: (b, c)),
            pl.BlockSpec((h0, 128), lambda c, b: (0, c)),
        ],
        out_specs=pl.BlockSpec((n_pad, 128), lambda c, b: (0, c)),
        out_shape=jax.ShapeDtypeStruct((n_pad, f0), jnp.float32),
        interpret=_INTERP,
    )(bases, el0s, er0d, dn0, dst_col, fsrc0, p0m)
    rst0 = acc0[:n]

    feat1, el1, er1, res1 = pl.pallas_call(
        _dense1_kernel,
        grid=(nrt,),
        in_specs=[
            pl.BlockSpec((rt, f0), lambda i: (i, 0)),
            pl.BlockSpec((1, f0), lambda i: (0, 0)),
            pl.BlockSpec((f0, ncls), lambda i: (0, 0)),
            pl.BlockSpec((ncls, 1), lambda i: (0, 0)),
            pl.BlockSpec((ncls, 1), lambda i: (0, 0)),
            pl.BlockSpec((f0, ncls), lambda i: (0, 0)),
        ],
        out_specs=[
            pl.BlockSpec((rt, ncls), lambda i: (i, 0)),
            pl.BlockSpec((rt, 1), lambda i: (i, 0)),
            pl.BlockSpec((rt, 1), lambda i: (i, 0)),
            pl.BlockSpec((rt, ncls), lambda i: (i, 0)),
        ],
        out_shape=[
            jax.ShapeDtypeStruct((n, ncls), jnp.float32),
            jax.ShapeDtypeStruct((n, 1), jnp.float32),
            jax.ShapeDtypeStruct((n, 1), jnp.float32),
            jax.ShapeDtypeStruct((n, ncls), jnp.float32),
        ],
        interpret=_INTERP,
    )(rst0, b0.reshape(1, f0), W1, a1m, b1m, resW1)

    el1s = jnp.take(el1, src_s, axis=0)
    er1d = jnp.take(er1, dst_s, axis=0)

    denom1 = pl.pallas_call(
        _denom_kernel,
        grid=(nblk,),
        in_specs=[
            pl.BlockSpec(memory_space=pltpu.SMEM),
            pl.BlockSpec((EB, 1), lambda b: (b, 0)),
            pl.BlockSpec((EB, 1), lambda b: (b, 0)),
            pl.BlockSpec((EB, 1), lambda b: (b, 0)),
        ],
        out_specs=pl.BlockSpec((n_pad, 1), lambda b: (0, 0)),
        out_shape=jax.ShapeDtypeStruct((n_pad, 1), jnp.float32),
        interpret=_INTERP,
    )(bases, el1s, er1d, dst_col)

    dn1 = jnp.take(denom1, dst_s, axis=0)
    fsrc1 = jnp.take(feat1, src_s, axis=0)

    acc1 = pl.pallas_call(
        functools.partial(_agg1_kernel, n, nblk),
        grid=(nblk,),
        in_specs=[
            pl.BlockSpec(memory_space=pltpu.SMEM),
            pl.BlockSpec((EB, 1), lambda b: (b, 0)),
            pl.BlockSpec((EB, 1), lambda b: (b, 0)),
            pl.BlockSpec((EB, 1), lambda b: (b, 0)),
            pl.BlockSpec((EB, 1), lambda b: (b, 0)),
            pl.BlockSpec((EB, ncls), lambda b: (b, 0)),
            pl.BlockSpec((n, ncls), lambda b: (0, 0)),
            pl.BlockSpec((1, ncls), lambda b: (0, 0)),
        ],
        out_specs=pl.BlockSpec((n_pad, ncls), lambda b: (0, 0)),
        out_shape=jax.ShapeDtypeStruct((n_pad, ncls), jnp.float32),
        interpret=_INTERP,
    )(bases, el1s, er1d, dn1, dst_col, fsrc1, res1, b1.reshape(1, ncls))

    return acc1[:n]

# --- scband reference (transcript-rebuilt; emitter-appended) ---
"""Pipeline reference for scband-torch-gat-46995532153585 (READ-ONLY COPY).

The authoritative reference and input builder live on the scoring server;
editing this copy changes nothing except your own understanding.
"""

import jax, jax.numpy as jnp
import numpy as np

N = 10000
E = 320000
IN_DIM = 128
HID = 64
H0 = 8
NUM_CLASSES = 40
NEG_SLOPE = 0.2


def _gat_layer(x, src, dst, W, al, ar, b, res_W, n_nodes, activation=None):
    H, Fo = al.shape
    feat = (x @ W).reshape(-1, H, Fo)
    el = jnp.sum(feat * al[None, :, :], axis=-1)  # [N,H]
    er = jnp.sum(feat * ar[None, :, :], axis=-1)  # [N,H]
    e = jax.nn.leaky_relu(el[src] + er[dst], negative_slope=NEG_SLOPE)  # [E,H]
    m = jax.lax.stop_gradient(jax.ops.segment_max(e, dst, num_segments=n_nodes))
    m = jnp.where(jnp.isfinite(m), m, 0.0)
    ex = jnp.exp(e - m[dst])
    denom = jax.ops.segment_sum(ex, dst, num_segments=n_nodes)
    alpha = ex / (denom[dst] + 1e-16)  # edge softmax over incoming edges per dst
    msg = feat[src] * alpha[:, :, None]  # [E,H,Fo]
    rst = jax.ops.segment_sum(msg, dst, num_segments=n_nodes)  # [N,H,Fo]
    if res_W is not None:
        rst = rst + (x @ res_W).reshape(-1, H, Fo)
    rst = rst + b.reshape(1, H, Fo)
    if activation is not None:
        rst = activation(rst)
    return rst


def setup_inputs(seed: int = 0) -> dict:
    key = jax.random.key(seed)
    ks = [jax.random.fold_in(key, i) for i in range(12)]
    inputs = jax.random.normal(ks[0], (N, IN_DIM), dtype=jnp.float32)
    graph = jax.random.randint(ks[1], (2, E), 0, N, dtype=jnp.int32)
    s = lambda fan: 1.0 / np.sqrt(fan)
    W0 = jax.random.normal(ks[2], (IN_DIM, H0 * HID), dtype=jnp.float32) * s(IN_DIM)
    al0 = jax.random.normal(ks[3], (H0, HID), dtype=jnp.float32) * s(HID)
    ar0 = jax.random.normal(ks[4], (H0, HID), dtype=jnp.float32) * s(HID)
    b0 = jnp.zeros((H0 * HID,), dtype=jnp.float32)
    W1 = jax.random.normal(ks[5], (H0 * HID, NUM_CLASSES), dtype=jnp.float32) * s(H0 * HID)
    al1 = jax.random.normal(ks[6], (1, NUM_CLASSES), dtype=jnp.float32) * s(NUM_CLASSES)
    ar1 = jax.random.normal(ks[7], (1, NUM_CLASSES), dtype=jnp.float32) * s(NUM_CLASSES)
    b1 = jnp.zeros((NUM_CLASSES,), dtype=jnp.float32)
    resW1 = jax.random.normal(ks[8], (H0 * HID, NUM_CLASSES), dtype=jnp.float32) * s(H0 * HID)
    return {"inputs": inputs, "graph": graph, "W0": W0, "al0": al0, "ar0": ar0, "b0": b0,
            "W1": W1, "al1": al1, "ar1": ar1, "b1": b1, "resW1": resW1}


def reference(inputs, graph, W0, al0, ar0, b0, W1, al1, ar1, b1, resW1):
    src = graph[0]
    dst = graph[1]
    # layer 0: GATConv(128 -> 64, heads=8, residual=False, activation=relu), then flatten(1)
    h = _gat_layer(inputs, src, dst, W0, al0, ar0, b0, None, N, activation=jax.nn.relu)
    h = h.reshape(N, -1)  # [N, 512]
    # output layer: GATConv(512 -> 40, heads=1, residual=True, activation=None), then mean over heads
    out = _gat_layer(h, src, dst, W1, al1, ar1, b1, resW1, N, activation=None)
    logits = out.mean(axis=1)  # [N, 40]
    return logits

if __name__ == "__main__":
    import jax
    _d = setup_inputs()
    print(jax.jit(kernel)(*tuple(_d.values())))

</pallas_src>

<mosaic_0001>
module attributes {stable_mosaic.version = 14 : i64} {
  func.func @_dense0_kernel(%arg0: i32, %arg1: memref<1000x128xf32, #tpu.memory_space<vmem>>, %arg2: memref<128x512xf32, #tpu.memory_space<vmem>>, %arg3: memref<512x8xf32, #tpu.memory_space<vmem>>, %arg4: memref<512x8xf32, #tpu.memory_space<vmem>>, %arg5: memref<1000x512xf32, #tpu.memory_space<vmem>>, %arg6: memref<1000x8xf32, #tpu.memory_space<vmem>>, %arg7: memref<1000x8xf32, #tpu.memory_space<vmem>>) attributes {dimension_semantics = [#tpu.dimension_semantics<arbitrary>], iteration_bounds = array<i64: 10>, scalar_prefetch = 0 : i64, scratch_operands = 0 : i64, tpu.core_type = #tpu.core_type<tc>, window_params = [{transform_indices = @transform_0, window_bounds = array<i64: 1000, 128>}, {pipeline_mode = #tpu.pipeline_mode<synchronous>, transform_indices = @transform_1, window_bounds = array<i64: 128, 512>}, {pipeline_mode = #tpu.pipeline_mode<synchronous>, transform_indices = @transform_2, window_bounds = array<i64: 512, 8>}, {pipeline_mode = #tpu.pipeline_mode<synchronous>, transform_indices = @transform_3, window_bounds = array<i64: 512, 8>}, {transform_indices = @transform_4, window_bounds = array<i64: 1000, 512>}, {transform_indices = @transform_5, window_bounds = array<i64: 1000, 8>}, {transform_indices = @transform_6, window_bounds = array<i64: 1000, 8>}]} {
    %get3A = arith.constant 0 : index
    %get3A_0 = arith.constant 0 : index
    %get3A_1 = vector.load %arg1[%get3A, %get3A_0] : memref<1000x128xf32, #tpu.memory_space<vmem>>, vector<1000x128xf32>
    %get3A_2 = arith.constant 0 : index
    %get3A_3 = arith.constant 0 : index
    %get3A_4 = vector.load %arg2[%get3A_2, %get3A_3] : memref<128x512xf32, #tpu.memory_space<vmem>>, vector<128x512xf32>
    %dot_general3A = arith.constant dense<0.000000e+00> : vector<1000x512xf32>
    %dot_general3A_5 = tpu.matmul %get3A_1, %get3A_4, %dot_general3A {dimension_numbers = #tpu.dot_dimension_numbers<[1], [0], [0], [1], [0, 0, 1, 1], [], []>, transpose_lhs_hint = false} : vector<1000x128xf32>, vector<128x512xf32>, vector<1000x512xf32> -> vector<1000x512xf32>
    %swap3A = arith.constant 0 : index
    %swap3A_6 = arith.constant 0 : index
    %swap3A_7 = vector.load %arg5[%swap3A, %swap3A_6] : memref<1000x512xf32, #tpu.memory_space<vmem>>, vector<1000x512xf32>
    tpu.vector_store %arg5[%swap3A, %swap3A_6], %dot_general3A_5 {strides = array<i32>} : memref<1000x512xf32, #tpu.memory_space<vmem>>, vector<1000x512xf32>,
    %get3A_8 = arith.constant 0 : index
    %get3A_9 = arith.constant 0 : index
    %get3A_10 = vector.load %arg3[%get3A_8, %get3A_9] : memref<512x8xf32, #tpu.memory_space<vmem>>, vector<512x8xf32>
    %dot_general3A_11 = arith.constant dense<0.000000e+00> : vector<1000x8xf32>
    %dot_general3A_12 = tpu.matmul %dot_general3A_5, %get3A_10, %dot_general3A_11 {dimension_numbers = #tpu.dot_dimension_numbers<[1], [0], [0], [1], [0, 0, 1, 1], [], []>, transpose_lhs_hint = false} : vector<1000x512xf32>, vector<512x8xf32>, vector<1000x8xf32> -> vector<1000x8xf32>
    %swap3A_13 = arith.constant 0 : index
    %swap3A_14 = arith.constant 0 : index
    %swap3A_15 = vector.load %arg6[%swap3A_13, %swap3A_14] : memref<1000x8xf32, #tpu.memory_space<vmem>>, vector<1000x8xf32>
    tpu.vector_store %arg6[%swap3A_13, %swap3A_14], %dot_general3A_12 {strides = array<i32>} : memref<1000x8xf32, #tpu.memory_space<vmem>>, vector<1000x8xf32>,
    %get3A_16 = arith.constant 0 : index
    %get3A_17 = arith.constant 0 : index
    %get3A_18 = vector.load %arg4[%get3A_16, %get3A_17] : memref<512x8xf32, #tpu.memory_space<vmem>>, vector<512x8xf32>
    %dot_general3A_19 = arith.constant dense<0.000000e+00> : vector<1000x8xf32>
    %dot_general3A_20 = tpu.matmul %dot_general3A_5, %get3A_18, %dot_general3A_19 {dimension_numbers = #tpu.dot_dimension_numbers<[1], [0], [0], [1], [0, 0, 1, 1], [], []>, transpose_lhs_hint = false} : vector<1000x512xf32>, vector<512x8xf32>, vector<1000x8xf32> -> vector<1000x8xf32>
    %swap3A_21 = arith.constant 0 : index
    %swap3A_22 = arith.constant 0 : index
    %swap3A_23 = vector.load %arg7[%swap3A_21, %swap3A_22] : memref<1000x8xf32, #tpu.memory_space<vmem>>, vector<1000x8xf32>
    tpu.vector_store %arg7[%swap3A_21, %swap3A_22], %dot_general3A_20 {strides = array<i32>} : memref<1000x8xf32, #tpu.memory_space<vmem>>, vector<1000x8xf32>,
    return
  }
  func.func @transform_0(%arg0: i32) -> (i32, i32) {
    %c0_i32 = arith.constant 0 : i32
    %c0_i32_0 = arith.constant 0 : i32
    return %arg0, %c0_i32 : i32, i32
  }
  func.func @transform_1(%arg0: i32) -> (i32, i32) {
    %c0_i32 = arith.constant 0 : i32
    %c0_i32_0 = arith.constant 0 : i32
    %c0_i32_1 = arith.constant 0 : i32
    return %c0_i32, %c0_i32_0 : i32, i32
  }
  func.func @transform_2(%arg0: i32) -> (i32, i32) {
    %c0_i32 = arith.constant 0 : i32
    %c0_i32_0 = arith.constant 0 : i32
    %c0_i32_1 = arith.constant 0 : i32
    return %c0_i32, %c0_i32_0 : i32, i32
  }
  func.func @transform_3(%arg0: i32) -> (i32, i32) {
    %c0_i32 = arith.constant 0 : i32
    %c0_i32_0 = arith.constant 0 : i32
    %c0_i32_1 = arith.constant 0 : i32
    return %c0_i32, %c0_i32_0 : i32, i32
  }
  func.func @transform_4(%arg0: i32) -> (i32, i32) {
    %c0_i32 = arith.constant 0 : i32
    %c0_i32_0 = arith.constant 0 : i32
    return %arg0, %c0_i32 : i32, i32
  }
  func.func @transform_5(%arg0: i32) -> (i32, i32) {
    %c0_i32 = arith.constant 0 : i32
    %c0_i32_0 = arith.constant 0 : i32
    return %arg0, %c0_i32 : i32, i32
  }
  func.func @transform_6(%arg0: i32) -> (i32, i32) {
    %c0_i32 = arith.constant 0 : i32
    %c0_i32_0 = arith.constant 0 : i32
    return %arg0, %c0_i32 : i32, i32
  }
}

module attributes {stable_mosaic.version = 14 : i64} {
  func.func @_denom_kernel(%arg0: i32, %arg1: memref<313xi32, #tpu.memory_space<smem>>, %arg2: memref<1024x8xf32, #tpu.memory_space<vmem>>, %arg3: memref<1024x8xf32, #tpu.memory_space<vmem>>, %arg4: memref<1024x1xi32, #tpu.memory_space<vmem>>, %arg5: memref<10256x8xf32, #tpu.memory_space<vmem>>) attributes {dimension_semantics = [#tpu.dimension_semantics<arbitrary>], iteration_bounds = array<i64: 313>, scalar_prefetch = 0 : i64, scratch_operands = 0 : i64, tpu.core_type = #tpu.core_type<tc>, window_params = [{transform_indices = @transform_0, window_bounds = array<i64: 313>}, {transform_indices = @transform_1, window_bounds = array<i64: 1024, 8>}, {transform_indices = @transform_2, window_bounds = array<i64: 1024, 8>}, {transform_indices = @transform_3, window_bounds = array<i64: 1024, 1>}, {pipeline_mode = #tpu.pipeline_mode<synchronous>, transform_indices = @transform_4, window_bounds = array<i64: 10256, 8>}]} {
    %eq3A = arith.constant 0 : i32
    %eq3A_0 = arith.cmpi eq, %arg0, %eq3A : i32
    %convert_element_type3A = arith.extui %eq3A_0 : i1 to i32
    %cond3A = arith.constant 0 : i32
    %cond3A_1 = arith.cmpi ne, %convert_element_type3A, %cond3A : i32
    scf.if %cond3A_1 {
      %broadcast_in_dim3A = arith.constant 0.000000e+00 : f32
      %broadcast_in_dim3A_28 = vector.broadcast %broadcast_in_dim3A : f32 to vector<10256x8xf32>
      %swap3A_29 = arith.constant 0 : index
      %swap3A_30 = arith.constant 0 : index
      %swap3A_31 = vector.load %arg5[%swap3A_29, %swap3A_30] : memref<10256x8xf32, #tpu.memory_space<vmem>>, vector<10256x8xf32>
      tpu.vector_store %arg5[%swap3A_29, %swap3A_30], %broadcast_in_dim3A_28 {strides = array<i32>} : memref<10256x8xf32, #tpu.memory_space<vmem>>, vector<10256x8xf32>,
    } else {
    }
    %get3A = arith.index_cast %arg0 : i32 to index
    %get3A_2 = memref.load %arg1[%get3A] : memref<313xi32, #tpu.memory_space<smem>>
    %get3A_3 = arith.constant 0 : index
    %get3A_4 = arith.constant 0 : index
    %get3A_5 = vector.load %arg2[%get3A_3, %get3A_4] : memref<1024x8xf32, #tpu.memory_space<vmem>>, vector<1024x8xf32>
    %get3A_6 = arith.constant 0 : index
    %get3A_7 = arith.constant 0 : index
    %get3A_8 = vector.load %arg3[%get3A_6, %get3A_7] : memref<1024x8xf32, #tpu.memory_space<vmem>>, vector<1024x8xf32>
    %add3A = arith.addf %get3A_5, %get3A_8 : vector<1024x8xf32>
    %ge3A = arith.constant 0.000000e+00 : f32
    %ge3A_9 = vector.broadcast %ge3A : f32 to vector<1024x8xf32>
    %ge3A_10 = arith.cmpf oge, %add3A, %ge3A_9 : vector<1024x8xf32>
    %mul3A = arith.constant 2.000000e-01 : f32
    %mul3A_11 = vector.broadcast %mul3A : f32 to vector<1024x8xf32>
    %mul3A_12 = arith.mulf %mul3A_11, %add3A : vector<1024x8xf32>
    %select_n3A = arith.select %ge3A_10, %add3A, %mul3A_12 : vector<1024x8xi1>, vector<1024x8xf32>
    %exp3A = math.exp %select_n3A : vector<1024x8xf32>
    %get3A_13 = arith.constant 0 : index
    %get3A_14 = arith.constant 0 : index
    %get3A_15 = vector.load %arg4[%get3A_13, %get3A_14] : memref<1024x1xi32, #tpu.memory_space<vmem>>, vector<1024x1xi32>
    %sub3A = vector.broadcast %get3A_2 : i32 to vector<1024x1xi32>
    %sub3A_16 = arith.subi %get3A_15, %sub3A : vector<1024x1xi32>
    %iota3A = tpu.iota {dimensions = array<i32: 1>} : vector<1024x256xi32>
    %eq3A_17 = vector.broadcast %sub3A_16 : vector<1024x1xi32> to vector<1024x256xi32>
    %eq3A_18 = arith.cmpi eq, %eq3A_17, %iota3A : vector<1024x256xi32>
    %convert_element_type3A_19 = arith.extui %eq3A_18 : vector<1024x256xi1> to vector<1024x256xi32>
    %convert_element_type3A_20 = arith.sitofp %convert_element_type3A_19 : vector<1024x256xi32> to vector<1024x256xf32>
    %dot_general3A = arith.constant dense<0.000000e+00> : vector<256x8xf32>
    %dot_general3A_21 = tpu.matmul %convert_element_type3A_20, %exp3A, %dot_general3A {dimension_numbers = #tpu.dot_dimension_numbers<[0], [0], [1], [1], [0, 1, 1, 1], [], []>, transpose_lhs_hint = false} : vector<1024x256xf32>, vector<1024x8xf32>, vector<256x8xf32> -> vector<256x8xf32>
    %get3A_22 = arith.index_cast %get3A_2 : i32 to index
    %get3A_23 = arith.constant 0 : index
    %get3A_24 = vector.load %arg5[%get3A_22, %get3A_23] : memref<10256x8xf32, #tpu.memory_space<vmem>>, vector<256x8xf32>
    %add3A_25 = arith.addf %get3A_24, %dot_general3A_21 : vector<256x8xf32>
    %swap3A = arith.index_cast %get3A_2 : i32 to index
    %swap3A_26 = arith.constant 0 : index
    %swap3A_27 = vector.load %arg5[%swap3A, %swap3A_26] : memref<10256x8xf32, #tpu.memory_space<vmem>>, vector<256x8xf32>
    tpu.vector_store %arg5[%swap3A, %swap3A_26], %add3A_25 {strides = array<i32>} : memref<10256x8xf32, #tpu.memory_space<vmem>>, vector<256x8xf32>,
    return
  }
  func.func @transform_0(%arg0: i32) -> i32 {
    %c0_i32 = arith.constant 0 : i32
    %c0_i32_0 = arith.constant 0 : i32
    return %c0_i32 : i32
  }
  func.func @transform_1(%arg0: i32) -> (i32, i32) {
    %c0_i32 = arith.constant 0 : i32
    %c0_i32_0 = arith.constant 0 : i32
    return %arg0, %c0_i32 : i32, i32
  }
  func.func @transform_2(%arg0: i32) -> (i32, i32) {
    %c0_i32 = arith.constant 0 : i32
    %c0_i32_0 = arith.constant 0 : i32
    return %arg0, %c0_i32 : i32, i32
  }
  func.func @transform_3(%arg0: i32) -> (i32, i32) {
    %c0_i32 = arith.constant 0 : i32
    %c0_i32_0 = arith.constant 0 : i32
    return %arg0, %c0_i32 : i32, i32
  }
  func.func @transform_4(%arg0: i32) -> (i32, i32) {
    %c0_i32 = arith.constant 0 : i32
    %c0_i32_0 = arith.constant 0 : i32
    %c0_i32_1 = arith.constant 0 : i32
    return %c0_i32, %c0_i32_0 : i32, i32
  }
}

module attributes {stable_mosaic.version = 14 : i64} {
  func.func @_agg0_kernel(%arg0: i32, %arg1: i32, %arg2: memref<313xi32, #tpu.memory_space<smem>>, %arg3: memref<1024x8xf32, #tpu.memory_space<vmem>>, %arg4: memref<1024x8xf32, #tpu.memory_space<vmem>>, %arg5: memref<1024x8xf32, #tpu.memory_space<vmem>>, %arg6: memref<1024x1xi32, #tpu.memory_space<vmem>>, %arg7: memref<1024x128xf32, #tpu.memory_space<vmem>>, %arg8: memref<8x128xf32, #tpu.memory_space<vmem>>, %arg9: memref<10256x128xf32, #tpu.memory_space<vmem>>) attributes {dimension_semantics = [#tpu.dimension_semantics<arbitrary>, #tpu.dimension_semantics<arbitrary>], iteration_bounds = array<i64: 4, 313>, scalar_prefetch = 0 : i64, scratch_operands = 0 : i64, tpu.core_type = #tpu.core_type<tc>, window_params = [{transform_indices = @transform_0, window_bounds = array<i64: 313>}, {transform_indices = @transform_1, window_bounds = array<i64: 1024, 8>}, {transform_indices = @transform_2, window_bounds = array<i64: 1024, 8>}, {transform_indices = @transform_3, window_bounds = array<i64: 1024, 8>}, {transform_indices = @transform_4, window_bounds = array<i64: 1024, 1>}, {transform_indices = @transform_5, window_bounds = array<i64: 1024, 128>}, {transform_indices = @transform_6, window_bounds = array<i64: 8, 128>}, {transform_indices = @transform_7, window_bounds = array<i64: 10256, 128>}]} {
    %eq3A = arith.constant 0 : i32
    %eq3A_0 = arith.cmpi eq, %arg1, %eq3A : i32
    %convert_element_type3A = arith.extui %eq3A_0 : i1 to i32
    %cond3A = arith.constant 0 : i32
    %cond3A_1 = arith.cmpi ne, %convert_element_type3A, %cond3A : i32
    scf.if %cond3A_1 {
      %broadcast_in_dim3A = arith.constant 0.000000e+00 : f32
      %broadcast_in_dim3A_43 = vector.broadcast %broadcast_in_dim3A : f32 to vector<10256x128xf32>
      %swap3A_44 = arith.constant 0 : index
      %swap3A_45 = arith.constant 0 : index
      %swap3A_46 = vector.load %arg9[%swap3A_44, %swap3A_45] : memref<10256x128xf32, #tpu.memory_space<vmem>>, vector<10256x128xf32>
      tpu.vector_store %arg9[%swap3A_44, %swap3A_45], %broadcast_in_dim3A_43 {strides = array<i32>} : memref<10256x128xf32, #tpu.memory_space<vmem>>, vector<10256x128xf32>,
    } else {
    }
    %get3A = arith.index_cast %arg1 : i32 to index
    %get3A_2 = memref.load %arg2[%get3A] : memref<313xi32, #tpu.memory_space<smem>>
    %get3A_3 = arith.constant 0 : index
    %get3A_4 = arith.constant 0 : index
    %get3A_5 = vector.load %arg3[%get3A_3, %get3A_4] : memref<1024x8xf32, #tpu.memory_space<vmem>>, vector<1024x8xf32>
    %get3A_6 = arith.constant 0 : index
    %get3A_7 = arith.constant 0 : index
    %get3A_8 = vector.load %arg4[%get3A_6, %get3A_7] : memref<1024x8xf32, #tpu.memory_space<vmem>>, vector<1024x8xf32>
    %add3A = arith.addf %get3A_5, %get3A_8 : vector<1024x8xf32>
    %ge3A = arith.constant 0.000000e+00 : f32
    %ge3A_9 = vector.broadcast %ge3A : f32 to vector<1024x8xf32>
    %ge3A_10 = arith.cmpf oge, %add3A, %ge3A_9 : vector<1024x8xf32>
    %mul3A = arith.constant 2.000000e-01 : f32
    %mul3A_11 = vector.broadcast %mul3A : f32 to vector<1024x8xf32>
    %mul3A_12 = arith.mulf %mul3A_11, %add3A : vector<1024x8xf32>
    %select_n3A = arith.select %ge3A_10, %add3A, %mul3A_12 : vector<1024x8xi1>, vector<1024x8xf32>
    %exp3A = math.exp %select_n3A : vector<1024x8xf32>
    %get3A_13 = arith.constant 0 : index
    %get3A_14 = arith.constant 0 : index
    %get3A_15 = vector.load %arg5[%get3A_13, %get3A_14] : memref<1024x8xf32, #tpu.memory_space<vmem>>, vector<1024x8xf32>
    %add3A_16 = arith.constant 1.000000e-16 : f32
    %add3A_17 = vector.broadcast %add3A_16 : f32 to vector<1024x8xf32>
    %add3A_18 = arith.addf %get3A_15, %add3A_17 : vector<1024x8xf32>
    %div3A = arith.divf %exp3A, %add3A_18 : vector<1024x8xf32>
    %get3A_19 = arith.constant 0 : index
    %get3A_20 = arith.constant 0 : index
    %get3A_21 = vector.load %arg8[%get3A_19, %get3A_20] : memref<8x128xf32, #tpu.memory_space<vmem>>, vector<8x128xf32>
    %dot_general3A = arith.constant dense<0.000000e+00> : vector<1024x128xf32>
    %dot_general3A_22 = tpu.matmul %div3A, %get3A_21, %dot_general3A {dimension_numbers = #tpu.dot_dimension_numbers<[1], [0], [0], [1], [0, 0, 1, 1], [], []>, transpose_lhs_hint = false} : vector<1024x8xf32>, vector<8x128xf32>, vector<1024x128xf32> -> vector<1024x128xf32>
    %get3A_23 = arith.constant 0 : index
    %get3A_24 = arith.constant 0 : index
    %get3A_25 = vector.load %arg7[%get3A_23, %get3A_24] : memref<1024x128xf32, #tpu.memory_space<vmem>>, vector<1024x128xf32>
    %mul3A_26 = arith.mulf %get3A_25, %dot_general3A_22 : vector<1024x128xf32>
    %get3A_27 = arith.constant 0 : index
    %get3A_28 = arith.constant 0 : index
    %get3A_29 = vector.load %arg6[%get3A_27, %get3A_28] : memref<1024x1xi32, #tpu.memory_space<vmem>>, vector<1024x1xi32>
    %sub3A = vector.broadcast %get3A_2 : i32 to vector<1024x1xi32>
    %sub3A_30 = arith.subi %get3A_29, %sub3A : vector<1024x1xi32>
    %iota3A = tpu.iota {dimensions = array<i32: 1>} : vector<1024x256xi32>
    %eq3A_31 = vector.broadcast %sub3A_30 : vector<1024x1xi32> to vector<1024x256xi32>
    %eq3A_32 = arith.cmpi eq, %eq3A_31, %iota3A : vector<1024x256xi32>
    %convert_element_type3A_33 = arith.extui %eq3A_32 : vector<1024x256xi1> to vector<1024x256xi32>
    %convert_element_type3A_34 = arith.sitofp %convert_element_type3A_33 : vector<1024x256xi32> to vector<1024x256xf32>
    %dot_general3A_35 = arith.constant dense<0.000000e+00> : vector<256x128xf32>
    %dot_general3A_36 = tpu.matmul %convert_element_type3A_34, %mul3A_26, %dot_general3A_35 {dimension_numbers = #tpu.dot_dimension_numbers<[0], [0], [1], [1], [0, 1, 1, 1], [], []>, transpose_lhs_hint = false} : vector<1024x256xf32>, vector<1024x128xf32>, vector<256x128xf32> -> vector<256x128xf32>
    %get3A_37 = arith.index_cast %get3A_2 : i32 to index
    %get3A_38 = arith.constant 0 : index
    %get3A_39 = vector.load %arg9[%get3A_37, %get3A_38] : memref<10256x128xf32, #tpu.memory_space<vmem>>, vector<256x128xf32>
    %add3A_40 = arith.addf %get3A_39, %dot_general3A_36 : vector<256x128xf32>
    %swap3A = arith.index_cast %get3A_2 : i32 to index
    %swap3A_41 = arith.constant 0 : index
    %swap3A_42 = vector.load %arg9[%swap3A, %swap3A_41] : memref<10256x128xf32, #tpu.memory_space<vmem>>, vector<256x128xf32>
    tpu.vector_store %arg9[%swap3A, %swap3A_41], %add3A_40 {strides = array<i32>} : memref<10256x128xf32, #tpu.memory_space<vmem>>, vector<256x128xf32>,
    return
  }
  func.func @transform_0(%arg0: i32, %arg1: i32) -> i32 {
    %c0_i32 = arith.constant 0 : i32
    %c0_i32_0 = arith.constant 0 : i32
    return %c0_i32 : i32
  }
  func.func @transform_1(%arg0: i32, %arg1: i32) -> (i32, i32) {
    %c0_i32 = arith.constant 0 : i32
    %c0_i32_0 = arith.constant 0 : i32
    return %arg1, %c0_i32 : i32, i32
  }
  func.func @transform_2(%arg0: i32, %arg1: i32) -> (i32, i32) {
    %c0_i32 = arith.constant 0 : i32
    %c0_i32_0 = arith.constant 0 : i32
    return %arg1, %c0_i32 : i32, i32
  }
  func.func @transform_3(%arg0: i32, %arg1: i32) -> (i32, i32) {
    %c0_i32 = arith.constant 0 : i32
    %c0_i32_0 = arith.constant 0 : i32
    return %arg1, %c0_i32 : i32, i32
  }
  func.func @transform_4(%arg0: i32, %arg1: i32) -> (i32, i32) {
    %c0_i32 = arith.constant 0 : i32
    %c0_i32_0 = arith.constant 0 : i32
    return %arg1, %c0_i32 : i32, i32
  }
  func.func @transform_5(%arg0: i32, %arg1: i32) -> (i32, i32) {
    %c0_i32 = arith.constant 0 : i32
    return %arg1, %arg0 : i32, i32
  }
  func.func @transform_6(%arg0: i32, %arg1: i32) -> (i32, i32) {
    %c0_i32 = arith.constant 0 : i32
    %c0_i32_0 = arith.constant 0 : i32
    return %c0_i32, %arg0 : i32, i32
  }
  func.func @transform_7(%arg0: i32, %arg1: i32) -> (i32, i32) {
    %c0_i32 = arith.constant 0 : i32
    %c0_i32_0 = arith.constant 0 : i32
    return %c0_i32, %arg0 : i32, i32
  }
}

module attributes {stable_mosaic.version = 14 : i64} {
  func.func @_dense1_kernel(%arg0: i32, %arg1: memref<1000x512xf32, #tpu.memory_space<vmem>>, %arg2: memref<1x512xf32, #tpu.memory_space<vmem>>, %arg3: memref<512x40xf32, #tpu.memory_space<vmem>>, %arg4: memref<40x1xf32, #tpu.memory_space<vmem>>, %arg5: memref<40x1xf32, #tpu.memory_space<vmem>>, %arg6: memref<512x40xf32, #tpu.memory_space<vmem>>, %arg7: memref<1000x40xf32, #tpu.memory_space<vmem>>, %arg8: memref<1000x1xf32, #tpu.memory_space<vmem>>, %arg9: memref<1000x1xf32, #tpu.memory_space<vmem>>, %arg10: memref<1000x40xf32, #tpu.memory_space<vmem>>) attributes {dimension_semantics = [#tpu.dimension_semantics<arbitrary>], iteration_bounds = array<i64: 10>, scalar_prefetch = 0 : i64, scratch_operands = 0 : i64, tpu.core_type = #tpu.core_type<tc>, window_params = [{transform_indices = @transform_0, window_bounds = array<i64: 1000, 512>}, {pipeline_mode = #tpu.pipeline_mode<synchronous>, transform_indices = @transform_1, window_bounds = array<i64: 1, 512>}, {pipeline_mode = #tpu.pipeline_mode<synchronous>, transform_indices = @transform_2, window_bounds = array<i64: 512, 40>}, {pipeline_mode = #tpu.pipeline_mode<synchronous>, transform_indices = @transform_3, window_bounds = array<i64: 40, 1>}, {pipeline_mode = #tpu.pipeline_mode<synchronous>, transform_indices = @transform_4, window_bounds = array<i64: 40, 1>}, {pipeline_mode = #tpu.pipeline_mode<synchronous>, transform_indices = @transform_5, window_bounds = array<i64: 512, 40>}, {transform_indices = @transform_6, window_bounds = array<i64: 1000, 40>}, {transform_indices = @transform_7, window_bounds = array<i64: 1000, 1>}, {transform_indices = @transform_8, window_bounds = array<i64: 1000, 1>}, {transform_indices = @transform_9, window_bounds = array<i64: 1000, 40>}]} {
    %get3A = arith.constant 0 : index
    %get3A_0 = arith.constant 0 : index
    %get3A_1 = vector.load %arg1[%get3A, %get3A_0] : memref<1000x512xf32, #tpu.memory_space<vmem>>, vector<1000x512xf32>
    %get3A_2 = arith.constant 0 : index
    %get3A_3 = arith.constant 0 : index
    %get3A_4 = vector.load %arg2[%get3A_2, %get3A_3] : memref<1x512xf32, #tpu.memory_space<vmem>>, vector<1x512xf32>
    %add3A = vector.broadcast %get3A_4 : vector<1x512xf32> to vector<1000x512xf32>
    %add3A_5 = arith.addf %get3A_1, %add3A : vector<1000x512xf32>
    %max3A = arith.constant 0.000000e+00 : f32
    %max3A_6 = vector.broadcast %max3A : f32 to vector<1000x512xf32>
    %max3A_7 = arith.maximumf %add3A_5, %max3A_6 : vector<1000x512xf32>
    %get3A_8 = arith.constant 0 : index
    %get3A_9 = arith.constant 0 : index
    %get3A_10 = vector.load %arg3[%get3A_8, %get3A_9] : memref<512x40xf32, #tpu.memory_space<vmem>>, vector<512x40xf32>
    %dot_general3A = arith.constant dense<0.000000e+00> : vector<1000x40xf32>
    %dot_general3A_11 = tpu.matmul %max3A_7, %get3A_10, %dot_general3A {dimension_numbers = #tpu.dot_dimension_numbers<[1], [0], [0], [1], [0, 0, 1, 1], [], []>, transpose_lhs_hint = false} : vector<1000x512xf32>, vector<512x40xf32>, vector<1000x40xf32> -> vector<1000x40xf32>
    %swap3A = arith.constant 0 : index
    %swap3A_12 = arith.constant 0 : index
    %swap3A_13 = vector.load %arg7[%swap3A, %swap3A_12] : memref<1000x40xf32, #tpu.memory_space<vmem>>, vector<1000x40xf32>
    tpu.vector_store %arg7[%swap3A, %swap3A_12], %dot_general3A_11 {strides = array<i32>} : memref<1000x40xf32, #tpu.memory_space<vmem>>, vector<1000x40xf32>,
    %get3A_14 = arith.constant 0 : index
    %get3A_15 = arith.constant 0 : index
    %get3A_16 = vector.load %arg4[%get3A_14, %get3A_15] : memref<40x1xf32, #tpu.memory_space<vmem>>, vector<40x1xf32>
    %dot_general3A_17 = arith.constant dense<0.000000e+00> : vector<1000x1xf32>
    %dot_general3A_18 = tpu.matmul %dot_general3A_11, %get3A_16, %dot_general3A_17 {dimension_numbers = #tpu.dot_dimension_numbers<[1], [0], [0], [1], [0, 0, 1, 1], [], []>, transpose_lhs_hint = false} : vector<1000x40xf32>, vector<40x1xf32>, vector<1000x1xf32> -> vector<1000x1xf32>
    %swap3A_19 = arith.constant 0 : index
    %swap3A_20 = arith.constant 0 : index
    %swap3A_21 = vector.load %arg8[%swap3A_19, %swap3A_20] : memref<1000x1xf32, #tpu.memory_space<vmem>>, vector<1000x1xf32>
    tpu.vector_store %arg8[%swap3A_19, %swap3A_20], %dot_general3A_18 {strides = array<i32>} : memref<1000x1xf32, #tpu.memory_space<vmem>>, vector<1000x1xf32>,
    %get3A_22 = arith.constant 0 : index
    %get3A_23 = arith.constant 0 : index
    %get3A_24 = vector.load %arg5[%get3A_22, %get3A_23] : memref<40x1xf32, #tpu.memory_space<vmem>>, vector<40x1xf32>
    %dot_general3A_25 = arith.constant dense<0.000000e+00> : vector<1000x1xf32>
    %dot_general3A_26 = tpu.matmul %dot_general3A_11, %get3A_24, %dot_general3A_25 {dimension_numbers = #tpu.dot_dimension_numbers<[1], [0], [0], [1], [0, 0, 1, 1], [], []>, transpose_lhs_hint = false} : vector<1000x40xf32>, vector<40x1xf32>, vector<1000x1xf32> -> vector<1000x1xf32>
    %swap3A_27 = arith.constant 0 : index
    %swap3A_28 = arith.constant 0 : index
    %swap3A_29 = vector.load %arg9[%swap3A_27, %swap3A_28] : memref<1000x1xf32, #tpu.memory_space<vmem>>, vector<1000x1xf32>
    tpu.vector_store %arg9[%swap3A_27, %swap3A_28], %dot_general3A_26 {strides = array<i32>} : memref<1000x1xf32, #tpu.memory_space<vmem>>, vector<1000x1xf32>,
    %get3A_30 = arith.constant 0 : index
    %get3A_31 = arith.constant 0 : index
    %get3A_32 = vector.load %arg6[%get3A_30, %get3A_31] : memref<512x40xf32, #tpu.memory_space<vmem>>, vector<512x40xf32>
    %dot_general3A_33 = arith.constant dense<0.000000e+00> : vector<1000x40xf32>
    %dot_general3A_34 = tpu.matmul %max3A_7, %get3A_32, %dot_general3A_33 {dimension_numbers = #tpu.dot_dimension_numbers<[1], [0], [0], [1], [0, 0, 1, 1], [], []>, transpose_lhs_hint = false} : vector<1000x512xf32>, vector<512x40xf32>, vector<1000x40xf32> -> vector<1000x40xf32>
    %swap3A_35 = arith.constant 0 : index
    %swap3A_36 = arith.constant 0 : index
    %swap3A_37 = vector.load %arg10[%swap3A_35, %swap3A_36] : memref<1000x40xf32, #tpu.memory_space<vmem>>, vector<1000x40xf32>
    tpu.vector_store %arg10[%swap3A_35, %swap3A_36], %dot_general3A_34 {strides = array<i32>} : memref<1000x40xf32, #tpu.memory_space<vmem>>, vector<1000x40xf32>,
    return
  }
  func.func @transform_0(%arg0: i32) -> (i32, i32) {
    %c0_i32 = arith.constant 0 : i32
    %c0_i32_0 = arith.constant 0 : i32
    return %arg0, %c0_i32 : i32, i32
  }
  func.func @transform_1(%arg0: i32) -> (i32, i32) {
    %c0_i32 = arith.constant 0 : i32
    %c0_i32_0 = arith.constant 0 : i32
    %c0_i32_1 = arith.constant 0 : i32
    return %c0_i32, %c0_i32_0 : i32, i32
  }
  func.func @transform_2(%arg0: i32) -> (i32, i32) {
    %c0_i32 = arith.constant 0 : i32
    %c0_i32_0 = arith.constant 0 : i32
    %c0_i32_1 = arith.constant 0 : i32
    return %c0_i32, %c0_i32_0 : i32, i32
  }
  func.func @transform_3(%arg0: i32) -> (i32, i32) {
    %c0_i32 = arith.constant 0 : i32
    %c0_i32_0 = arith.constant 0 : i32
    %c0_i32_1 = arith.constant 0 : i32
    return %c0_i32, %c0_i32_0 : i32, i32
  }
  func.func @transform_4(%arg0: i32) -> (i32, i32) {
    %c0_i32 = arith.constant 0 : i32
    %c0_i32_0 = arith.constant 0 : i32
    %c0_i32_1 = arith.constant 0 : i32
    return %c0_i32, %c0_i32_0 : i32, i32
  }
  func.func @transform_5(%arg0: i32) -> (i32, i32) {
    %c0_i32 = arith.constant 0 : i32
    %c0_i32_0 = arith.constant 0 : i32
    %c0_i32_1 = arith.constant 0 : i32
    return %c0_i32, %c0_i32_0 : i32, i32
  }
  func.func @transform_6(%arg0: i32) -> (i32, i32) {
    %c0_i32 = arith.constant 0 : i32
    %c0_i32_0 = arith.constant 0 : i32
    return %arg0, %c0_i32 : i32, i32
  }
  func.func @transform_7(%arg0: i32) -> (i32, i32) {
    %c0_i32 = arith.constant 0 : i32
    %c0_i32_0 = arith.constant 0 : i32
    return %arg0, %c0_i32 : i32, i32
  }
  func.func @transform_8(%arg0: i32) -> (i32, i32) {
    %c0_i32 = arith.constant 0 : i32
    %c0_i32_0 = arith.constant 0 : i32
    return %arg0, %c0_i32 : i32, i32
  }
  func.func @transform_9(%arg0: i32) -> (i32, i32) {
    %c0_i32 = arith.constant 0 : i32
    %c0_i32_0 = arith.constant 0 : i32
    return %arg0, %c0_i32 : i32, i32
  }
}

module attributes {stable_mosaic.version = 14 : i64} {
  func.func @_denom_kernel(%arg0: i32, %arg1: memref<313xi32, #tpu.memory_space<smem>>, %arg2: memref<1024x1xf32, #tpu.memory_space<vmem>>, %arg3: memref<1024x1xf32, #tpu.memory_space<vmem>>, %arg4: memref<1024x1xi32, #tpu.memory_space<vmem>>, %arg5: memref<10256x1xf32, #tpu.memory_space<vmem>>) attributes {dimension_semantics = [#tpu.dimension_semantics<arbitrary>], iteration_bounds = array<i64: 313>, scalar_prefetch = 0 : i64, scratch_operands = 0 : i64, tpu.core_type = #tpu.core_type<tc>, window_params = [{transform_indices = @transform_0, window_bounds = array<i64: 313>}, {transform_indices = @transform_1, window_bounds = array<i64: 1024, 1>}, {transform_indices = @transform_2, window_bounds = array<i64: 1024, 1>}, {transform_indices = @transform_3, window_bounds = array<i64: 1024, 1>}, {pipeline_mode = #tpu.pipeline_mode<synchronous>, transform_indices = @transform_4, window_bounds = array<i64: 10256, 1>}]} {
    %eq3A = arith.constant 0 : i32
    %eq3A_0 = arith.cmpi eq, %arg0, %eq3A : i32
    %convert_element_type3A = arith.extui %eq3A_0 : i1 to i32
    %cond3A = arith.constant 0 : i32
    %cond3A_1 = arith.cmpi ne, %convert_element_type3A, %cond3A : i32
    scf.if %cond3A_1 {
      %broadcast_in_dim3A = arith.constant 0.000000e+00 : f32
      %broadcast_in_dim3A_28 = vector.broadcast %broadcast_in_dim3A : f32 to vector<10256x1xf32>
      %swap3A_29 = arith.constant 0 : index
      %swap3A_30 = arith.constant 0 : index
      %swap3A_31 = vector.load %arg5[%swap3A_29, %swap3A_30] : memref<10256x1xf32, #tpu.memory_space<vmem>>, vector<10256x1xf32>
      tpu.vector_store %arg5[%swap3A_29, %swap3A_30], %broadcast_in_dim3A_28 {strides = array<i32>} : memref<10256x1xf32, #tpu.memory_space<vmem>>, vector<10256x1xf32>,
    } else {
    }
    %get3A = arith.index_cast %arg0 : i32 to index
    %get3A_2 = memref.load %arg1[%get3A] : memref<313xi32, #tpu.memory_space<smem>>
    %get3A_3 = arith.constant 0 : index
    %get3A_4 = arith.constant 0 : index
    %get3A_5 = vector.load %arg2[%get3A_3, %get3A_4] : memref<1024x1xf32, #tpu.memory_space<vmem>>, vector<1024x1xf32>
    %get3A_6 = arith.constant 0 : index
    %get3A_7 = arith.constant 0 : index
    %get3A_8 = vector.load %arg3[%get3A_6, %get3A_7] : memref<1024x1xf32, #tpu.memory_space<vmem>>, vector<1024x1xf32>
    %add3A = arith.addf %get3A_5, %get3A_8 : vector<1024x1xf32>
    %ge3A = arith.constant 0.000000e+00 : f32
    %ge3A_9 = vector.broadcast %ge3A : f32 to vector<1024x1xf32>
    %ge3A_10 = arith.cmpf oge, %add3A, %ge3A_9 : vector<1024x1xf32>
    %mul3A = arith.constant 2.000000e-01 : f32
    %mul3A_11 = vector.broadcast %mul3A : f32 to vector<1024x1xf32>
    %mul3A_12 = arith.mulf %mul3A_11, %add3A : vector<1024x1xf32>
    %select_n3A = arith.select %ge3A_10, %add3A, %mul3A_12 : vector<1024x1xi1>, vector<1024x1xf32>
    %exp3A = math.exp %select_n3A : vector<1024x1xf32>
    %get3A_13 = arith.constant 0 : index
    %get3A_14 = arith.constant 0 : index
    %get3A_15 = vector.load %arg4[%get3A_13, %get3A_14] : memref<1024x1xi32, #tpu.memory_space<vmem>>, vector<1024x1xi32>
    %sub3A = vector.broadcast %get3A_2 : i32 to vector<1024x1xi32>
    %sub3A_16 = arith.subi %get3A_15, %sub3A : vector<1024x1xi32>
    %iota3A = tpu.iota {dimensions = array<i32: 1>} : vector<1024x256xi32>
    %eq3A_17 = vector.broadcast %sub3A_16 : vector<1024x1xi32> to vector<1024x256xi32>
    %eq3A_18 = arith.cmpi eq, %eq3A_17, %iota3A : vector<1024x256xi32>
    %convert_element_type3A_19 = arith.extui %eq3A_18 : vector<1024x256xi1> to vector<1024x256xi32>
    %convert_element_type3A_20 = arith.sitofp %convert_element_type3A_19 : vector<1024x256xi32> to vector<1024x256xf32>
    %dot_general3A = arith.constant dense<0.000000e+00> : vector<256x1xf32>
    %dot_general3A_21 = tpu.matmul %convert_element_type3A_20, %exp3A, %dot_general3A {dimension_numbers = #tpu.dot_dimension_numbers<[0], [0], [1], [1], [0, 1, 1, 1], [], []>, transpose_lhs_hint = false} : vector<1024x256xf32>, vector<1024x1xf32>, vector<256x1xf32> -> vector<256x1xf32>
    %get3A_22 = arith.index_cast %get3A_2 : i32 to index
    %get3A_23 = arith.constant 0 : index
    %get3A_24 = vector.load %arg5[%get3A_22, %get3A_23] : memref<10256x1xf32, #tpu.memory_space<vmem>>, vector<256x1xf32>
    %add3A_25 = arith.addf %get3A_24, %dot_general3A_21 : vector<256x1xf32>
    %swap3A = arith.index_cast %get3A_2 : i32 to index
    %swap3A_26 = arith.constant 0 : index
    %swap3A_27 = vector.load %arg5[%swap3A, %swap3A_26] : memref<10256x1xf32, #tpu.memory_space<vmem>>, vector<256x1xf32>
    tpu.vector_store %arg5[%swap3A, %swap3A_26], %add3A_25 {strides = array<i32>} : memref<10256x1xf32, #tpu.memory_space<vmem>>, vector<256x1xf32>,
    return
  }
  func.func @transform_0(%arg0: i32) -> i32 {
    %c0_i32 = arith.constant 0 : i32
    %c0_i32_0 = arith.constant 0 : i32
    return %c0_i32 : i32
  }
  func.func @transform_1(%arg0: i32) -> (i32, i32) {
    %c0_i32 = arith.constant 0 : i32
    %c0_i32_0 = arith.constant 0 : i32
    return %arg0, %c0_i32 : i32, i32
  }
  func.func @transform_2(%arg0: i32) -> (i32, i32) {
    %c0_i32 = arith.constant 0 : i32
    %c0_i32_0 = arith.constant 0 : i32
    return %arg0, %c0_i32 : i32, i32
  }
  func.func @transform_3(%arg0: i32) -> (i32, i32) {
    %c0_i32 = arith.constant 0 : i32
    %c0_i32_0 = arith.constant 0 : i32
    return %arg0, %c0_i32 : i32, i32
  }
  func.func @transform_4(%arg0: i32) -> (i32, i32) {
    %c0_i32 = arith.constant 0 : i32
    %c0_i32_0 = arith.constant 0 : i32
    %c0_i32_1 = arith.constant 0 : i32
    return %c0_i32, %c0_i32_0 : i32, i32
  }
}

module attributes {stable_mosaic.version = 14 : i64} {
  func.func @_agg1_kernel(%arg0: i32, %arg1: memref<313xi32, #tpu.memory_space<smem>>, %arg2: memref<1024x1xf32, #tpu.memory_space<vmem>>, %arg3: memref<1024x1xf32, #tpu.memory_space<vmem>>, %arg4: memref<1024x1xf32, #tpu.memory_space<vmem>>, %arg5: memref<1024x1xi32, #tpu.memory_space<vmem>>, %arg6: memref<1024x40xf32, #tpu.memory_space<vmem>>, %arg7: memref<10000x40xf32, #tpu.memory_space<vmem>>, %arg8: memref<1x40xf32, #tpu.memory_space<vmem>>, %arg9: memref<10256x40xf32, #tpu.memory_space<vmem>>) attributes {dimension_semantics = [#tpu.dimension_semantics<arbitrary>], iteration_bounds = array<i64: 313>, scalar_prefetch = 0 : i64, scratch_operands = 0 : i64, tpu.core_type = #tpu.core_type<tc>, window_params = [{transform_indices = @transform_0, window_bounds = array<i64: 313>}, {transform_indices = @transform_1, window_bounds = array<i64: 1024, 1>}, {transform_indices = @transform_2, window_bounds = array<i64: 1024, 1>}, {transform_indices = @transform_3, window_bounds = array<i64: 1024, 1>}, {transform_indices = @transform_4, window_bounds = array<i64: 1024, 1>}, {transform_indices = @transform_5, window_bounds = array<i64: 1024, 40>}, {pipeline_mode = #tpu.pipeline_mode<synchronous>, transform_indices = @transform_6, window_bounds = array<i64: 10000, 40>}, {pipeline_mode = #tpu.pipeline_mode<synchronous>, transform_indices = @transform_7, window_bounds = array<i64: 1, 40>}, {pipeline_mode = #tpu.pipeline_mode<synchronous>, transform_indices = @transform_8, window_bounds = array<i64: 10256, 40>}]} {
    %eq3A = arith.constant 0 : i32
    %eq3A_0 = arith.cmpi eq, %arg0, %eq3A : i32
    %convert_element_type3A = arith.extui %eq3A_0 : i1 to i32
    %cond3A = arith.constant 0 : i32
    %cond3A_1 = arith.cmpi ne, %convert_element_type3A, %cond3A : i32
    scf.if %cond3A_1 {
      %broadcast_in_dim3A = arith.constant 0.000000e+00 : f32
      %broadcast_in_dim3A_44 = vector.broadcast %broadcast_in_dim3A : f32 to vector<10256x40xf32>
      %swap3A_45 = arith.constant 0 : index
      %swap3A_46 = arith.constant 0 : index
      %swap3A_47 = vector.load %arg9[%swap3A_45, %swap3A_46] : memref<10256x40xf32, #tpu.memory_space<vmem>>, vector<10256x40xf32>
      tpu.vector_store %arg9[%swap3A_45, %swap3A_46], %broadcast_in_dim3A_44 {strides = array<i32>} : memref<10256x40xf32, #tpu.memory_space<vmem>>, vector<10256x40xf32>,
    } else {
    }
    %get3A = arith.index_cast %arg0 : i32 to index
    %get3A_2 = memref.load %arg1[%get3A] : memref<313xi32, #tpu.memory_space<smem>>
    %get3A_3 = arith.constant 0 : index
    %get3A_4 = arith.constant 0 : index
    %get3A_5 = vector.load %arg2[%get3A_3, %get3A_4] : memref<1024x1xf32, #tpu.memory_space<vmem>>, vector<1024x1xf32>
    %get3A_6 = arith.constant 0 : index
    %get3A_7 = arith.constant 0 : index
    %get3A_8 = vector.load %arg3[%get3A_6, %get3A_7] : memref<1024x1xf32, #tpu.memory_space<vmem>>, vector<1024x1xf32>
    %add3A = arith.addf %get3A_5, %get3A_8 : vector<1024x1xf32>
    %ge3A = arith.constant 0.000000e+00 : f32
    %ge3A_9 = vector.broadcast %ge3A : f32 to vector<1024x1xf32>
    %ge3A_10 = arith.cmpf oge, %add3A, %ge3A_9 : vector<1024x1xf32>
    %mul3A = arith.constant 2.000000e-01 : f32
    %mul3A_11 = vector.broadcast %mul3A : f32 to vector<1024x1xf32>
    %mul3A_12 = arith.mulf %mul3A_11, %add3A : vector<1024x1xf32>
    %select_n3A = arith.select %ge3A_10, %add3A, %mul3A_12 : vector<1024x1xi1>, vector<1024x1xf32>
    %exp3A = math.exp %select_n3A : vector<1024x1xf32>
    %get3A_13 = arith.constant 0 : index
    %get3A_14 = arith.constant 0 : index
    %get3A_15 = vector.load %arg4[%get3A_13, %get3A_14] : memref<1024x1xf32, #tpu.memory_space<vmem>>, vector<1024x1xf32>
    %add3A_16 = arith.constant 1.000000e-16 : f32
    %add3A_17 = vector.broadcast %add3A_16 : f32 to vector<1024x1xf32>
    %add3A_18 = arith.addf %get3A_15, %add3A_17 : vector<1024x1xf32>
    %div3A = arith.divf %exp3A, %add3A_18 : vector<1024x1xf32>
    %get3A_19 = arith.constant 0 : index
    %get3A_20 = arith.constant 0 : index
    %get3A_21 = vector.load %arg6[%get3A_19, %get3A_20] : memref<1024x40xf32, #tpu.memory_space<vmem>>, vector<1024x40xf32>
    %mul3A_22 = vector.broadcast %div3A : vector<1024x1xf32> to vector<1024x40xf32>
    %mul3A_23 = arith.mulf %get3A_21, %mul3A_22 : vector<1024x40xf32>
    %get3A_24 = arith.constant 0 : index
    %get3A_25 = arith.constant 0 : index
    %get3A_26 = vector.load %arg5[%get3A_24, %get3A_25] : memref<1024x1xi32, #tpu.memory_space<vmem>>, vector<1024x1xi32>
    %sub3A = vector.broadcast %get3A_2 : i32 to vector<1024x1xi32>
    %sub3A_27 = arith.subi %get3A_26, %sub3A : vector<1024x1xi32>
    %iota3A = tpu.iota {dimensions = array<i32: 1>} : vector<1024x256xi32>
    %eq3A_28 = vector.broadcast %sub3A_27 : vector<1024x1xi32> to vector<1024x256xi32>
    %eq3A_29 = arith.cmpi eq, %eq3A_28, %iota3A : vector<1024x256xi32>
    %convert_element_type3A_30 = arith.extui %eq3A_29 : vector<1024x256xi1> to vector<1024x256xi32>
    %convert_element_type3A_31 = arith.sitofp %convert_element_type3A_30 : vector<1024x256xi32> to vector<1024x256xf32>
    %dot_general3A = arith.constant dense<0.000000e+00> : vector<256x40xf32>
    %dot_general3A_32 = tpu.matmul %convert_element_type3A_31, %mul3A_23, %dot_general3A {dimension_numbers = #tpu.dot_dimension_numbers<[0], [0], [1], [1], [0, 1, 1, 1], [], []>, transpose_lhs_hint = false} : vector<1024x256xf32>, vector<1024x40xf32>, vector<256x40xf32> -> vector<256x40xf32>
    %get3A_33 = arith.index_cast %get3A_2 : i32 to index
    %get3A_34 = arith.constant 0 : index
    %get3A_35 = vector.load %arg9[%get3A_33, %get3A_34] : memref<10256x40xf32, #tpu.memory_space<vmem>>, vector<256x40xf32>
    %add3A_36 = arith.addf %get3A_35, %dot_general3A_32 : vector<256x40xf32>
    %swap3A = arith.index_cast %get3A_2 : i32 to index
    %swap3A_37 = arith.constant 0 : index
    %swap3A_38 = vector.load %arg9[%swap3A, %swap3A_37] : memref<10256x40xf32, #tpu.memory_space<vmem>>, vector<256x40xf32>
    tpu.vector_store %arg9[%swap3A, %swap3A_37], %add3A_36 {strides = array<i32>} : memref<10256x40xf32, #tpu.memory_space<vmem>>, vector<256x40xf32>,
    %eq3A_39 = arith.constant 312 : i32
    %eq3A_40 = arith.cmpi eq, %arg0, %eq3A_39 : i32
    %convert_element_type3A_41 = arith.extui %eq3A_40 : i1 to i32
    %cond3A_42 = arith.constant 0 : i32
    %cond3A_43 = arith.cmpi ne, %convert_element_type3A_41, %cond3A_42 : i32
    scf.if %cond3A_43 {
      %get3A_44 = arith.constant 0 : index
      %get3A_45 = arith.constant 0 : index
      %get3A_46 = vector.load %arg9[%get3A_44, %get3A_45] : memref<10256x40xf32, #tpu.memory_space<vmem>>, vector<10000x40xf32>
      %get3A_47 = arith.constant 0 : index
      %get3A_48 = arith.constant 0 : index
      %get3A_49 = vector.load %arg7[%get3A_47, %get3A_48] : memref<10000x40xf32, #tpu.memory_space<vmem>>, vector<10000x40xf32>
      %add3A_50 = arith.addf %get3A_46, %get3A_49 : vector<10000x40xf32>
      %get3A_51 = arith.constant 0 : index
      %get3A_52 = arith.constant 0 : index
      %get3A_53 = vector.load %arg8[%get3A_51, %get3A_52] : memref<1x40xf32, #tpu.memory_space<vmem>>, vector<1x40xf32>
      %add3A_54 = vector.broadcast %get3A_53 : vector<1x40xf32> to vector<10000x40xf32>
      %add3A_55 = arith.addf %add3A_50, %add3A_54 : vector<10000x40xf32>
      %swap3A_56 = arith.constant 0 : index
      %swap3A_57 = arith.constant 0 : index
      %swap3A_58 = vector.load %arg9[%swap3A_56, %swap3A_57] : memref<10256x40xf32, #tpu.memory_space<vmem>>, vector<10000x40xf32>
      tpu.vector_store %arg9[%swap3A_56, %swap3A_57], %add3A_55 {strides = array<i32>} : memref<10256x40xf32, #tpu.memory_space<vmem>>, vector<10000x40xf32>,
    } else {
    }
    return
  }
  func.func @transform_0(%arg0: i32) -> i32 {
    %c0_i32 = arith.constant 0 : i32
    %c0_i32_0 = arith.constant 0 : i32
    return %c0_i32 : i32
  }
  func.func @transform_1(%arg0: i32) -> (i32, i32) {
    %c0_i32 = arith.constant 0 : i32
    %c0_i32_0 = arith.constant 0 : i32
    return %arg0, %c0_i32 : i32, i32
  }
  func.func @transform_2(%arg0: i32) -> (i32, i32) {
    %c0_i32 = arith.constant 0 : i32
    %c0_i32_0 = arith.constant 0 : i32
    return %arg0, %c0_i32 : i32, i32
  }
  func.func @transform_3(%arg0: i32) -> (i32, i32) {
    %c0_i32 = arith.constant 0 : i32
    %c0_i32_0 = arith.constant 0 : i32
    return %arg0, %c0_i32 : i32, i32
  }
  func.func @transform_4(%arg0: i32) -> (i32, i32) {
    %c0_i32 = arith.constant 0 : i32
    %c0_i32_0 = arith.constant 0 : i32
    return %arg0, %c0_i32 : i32, i32
  }
  func.func @transform_5(%arg0: i32) -> (i32, i32) {
    %c0_i32 = arith.constant 0 : i32
    %c0_i32_0 = arith.constant 0 : i32
    return %arg0, %c0_i32 : i32, i32
  }
  func.func @transform_6(%arg0: i32) -> (i32, i32) {
    %c0_i32 = arith.constant 0 : i32
    %c0_i32_0 = arith.constant 0 : i32
    %c0_i32_1 = arith.constant 0 : i32
    return %c0_i32, %c0_i32_0 : i32, i32
  }
  func.func @transform_7(%arg0: i32) -> (i32, i32) {
    %c0_i32 = arith.constant 0 : i32
    %c0_i32_0 = arith.constant 0 : i32
    %c0_i32_1 = arith.constant 0 : i32
    return %c0_i32, %c0_i32_0 : i32, i32
  }
  func.func @transform_8(%arg0: i32) -> (i32, i32) {
    %c0_i32 = arith.constant 0 : i32
    %c0_i32_0 = arith.constant 0 : i32
    %c0_i32_1 = arith.constant 0 : i32
    return %c0_i32, %c0_i32_0 : i32, i32
  }
}

</mosaic_0001>

<sc_bundles>
// kernel: gather_offload_async_start.1
scs
__scs_entry_jumppad:
0x0: {  	(pc) =	sbr.rel $0x88, $3  }
0x1: {  	(tag) =	ssettag $0x0;
	lr =	simm.s32 $0x1  }
0x2: {  	[smem:$0x3F96] =	sst lr;
	_ =	strace $0xD0000000  }
0x3: {  	_ = 	snop  }
0x4: {  	_ = 	snop  }
0x5: {  	_ = 	snop  }
0x6: {  	_ = 	snop  }
0x7: {  	_ = 	snop  }
__scs_overlays_trampoline_lowered:
0x8: {  	[smem:$0x3FA5] =	sst s0  }
0x9: {  	[smem:$0x3FA6] =	sst s1  }
0xa: {  	[smem:$0x3FA7] =	sst s2  }
0xb: {  	[smem:$0x3FA8] =	sst s3  }
0xc: {  	[smem:$0x3FA9] =	sst s4  }
0xd: {  	[smem:$0x3FAA] =	sst s5  }
0xe: {  	[smem:$0x3FAB] =	sst s6  }
0xf: {  	[smem:$0x3FAC] =	sst s7  }
0x10: {  	[smem:$0x3FAD] =	sst s8  }
0x11: {  	[smem:$0x3FAE] =	sst s9;
	s0 =	simm.s32 @!p0 $0x0  }
0x12: {  	s1 =	sld [smem:$0x3F94];
	s0 =	simm.s32 @p0 $0x1  }
0x13: {  	[smem:$0x3FAF] =	sst s0;
	s0 =	simm.s32 @!p1 $0x0  }
0x14: {  	s2 =	sld [smem:$0x3F93];
	s0 =	simm.s32 @p1 $0x1  }
0x15: {  	[smem:$0x3FB0] =	sst s0;
	s0 =	simm.s32 @!p2 $0x0  }
0x16: {  	s3 =	sld [smem:$0x3FDB];
	s0 =	simm.s32 @p2 $0x1  }
0x17: {  	s4 =	simm.s32 $0x1BF5;
	[smem:$0x3FB2] =	sst s0  }
0x18: {  	s0 =	sld [smem:$0x3F95];
	_ =	swait.ge [sflag:s4], $0x0  }
0x19: {  	s7 =	sld [smem:$0x3F96]  }
0x1a: {  	s8 =	sadd.s32 $0xFFFFE003, lr  }
0x1b: {  	s9 =	sadd.s32 $0xFFFFFEF7, lr;
	s5 =	simm.s32 $0xFFFFFFFF;
	p2 =	slt.u32 s8, $0xFFFFF086  }
0x1c: {  	p1 =	slt.u32 s9, $0xF7A;
	s5 =	simm.s32 @!p2 $0x0  }
0x1d: {  	s5 =	simm.s32 @p1 $0x1;
	p0 =	seq.s32 s7, s2  }
0x1e: {  	s7 =	smul.u32 @!p0 $0xF7A, s2;
	p2 =	seq.s32 @!p0 s5, $0x0  }
0x1f: {  	s9 =	smul.u32 $0xF7A, s1;
	s8 =	simm.s32 @!p0 $0x1BF5;
	p2 =	por !p2, p0  }
0x20: {  	[sflag:s8] =	ssyncset.s32 @!p0 $0xFFFFF086;
	s6 =	sadd.s32 @!p0 s3, s7;
	s7 =	simm.s32 @!p0 $0x108  }
0x21: {  	s3 =	sadd.s32 s3, s9;
	s6 =	sadd.s32 @!p0 $0x88, s6;
	s7 =	simm.s32 @p2 $0x1082  }
0x22: {  	[simem:s7], [sflag:s8] =	dma.local @!p0 [hbm:s6], $0xF7A  }
0x23: {  	s9 =	sor.u32 $0xD0000000, s2;
	s6 =	simm.s32 $0x108;
	_ =	swait.ge @!p0 [sflag:s8], $0x0  }
0x24: {  	s3 =	sadd.s32 $0x88, s3;
	s6 =	simm.s32 @!p1 $0x1082;
	[sflag:s4] =	ssyncset.s32 $0xFFFFF086  }
0x25: {  	[simem:s6], [sflag:s4] =	dma.local [hbm:s3], $0xF7A  }
0x26: {  	[smem:$0x3F96] =	sst s1;
	(tag) =	ssettag s2;
	_ =	strace s9  }
0x27: {  	s1 =	sld [smem:$0x3FA6]  }
0x28: {  	s2 =	sld [smem:$0x3FA7]  }
0x29: {  	s4 =	sld [smem:$0x3FA9]  }
0x2a: {  	p0 =	seq.s32 s5, $0x0;
	s5 =	sld [smem:$0x3FAA]  }
0x2b: {  	s6 =	sld [smem:$0x3FAB]  }
0x2c: {  	s7 =	sld [smem:$0x3FAC]  }
0x2d: {  	s3 =	simm.s32 $0x108;
	s8 =	sld [smem:$0x3FAD]  }
0x2e: {  	s3 =	simm.s32 @!p0 $0x1082;
	s9 =	sld [smem:$0x3FAE]  }
0x2f: {  	lr =	sadd.s32 s0, s3;
	s0 =	sld [smem:$0x3FA5]  }
0x30: {  	s3 =	sld [smem:$0x3FA8]  }
0x31: {  	[smem:$0x3FB1] =	sst s10  }
0x32: {  	s10 =	sld [smem:$0x3FAF];
	_ =	sdelay $0x3  }
0x33: {  	p0 =	seq.s32 s10, $0x1;
	s10 =	sld [smem:$0x3FB1];
	_ =	sdelay $0x3  }
0x34: {  	[smem:$0x3FB1] =	sst s10  }
0x35: {  	s10 =	sld [smem:$0x3FB0];
	_ =	sdelay $0x3  }
0x36: {  	p1 =	seq.s32 s10, $0x1;
	s10 =	sld [smem:$0x3FB1];
	_ =	sdelay $0x3  }
0x37: {  	[smem:$0x3FB1] =	sst s10  }
0x38: {  	s10 =	sld [smem:$0x3FB2]  }
0x39: {  	_ = 	snop;
	(pc) =	sbr.ind lr, $3  }
0x3a: {  	_ = 	snop  }
0x3b: {  	_ = 	snop  }
0x3c: {  	p2 =	seq.s32 s10, $0x1;
	s10 =	sld [smem:$0x3FB1]  }
0x3d: {  	_ =	shalt  }
0x3e: {  	_ =	shalt  }
0x3f: {  	_ =	shalt  }
0x40: {  	_ =	shalt  }
0x41: {  	_ =	shalt  }
0x42: {  	_ =	shalt  }
0x43: {  	_ =	shalt  }
0x44: {  	_ =	shalt  }
0x45: {  	_ =	shalt  }
0x46: {  	_ =	shalt  }
0x47: {  	_ =	shalt  }
0x48: {  	_ =	shalt  }
0x49: {  	_ =	shalt  }
0x4a: {  	_ =	shalt  }
0x4b: {  	_ =	shalt  }
0x4c: {  	_ =	shalt  }
0x4d: {  	_ =	shalt  }
0x4e: {  	_ =	shalt  }
0x4f: {  	_ =	shalt  }
0x50: {  	_ =	shalt  }
0x51: {  	_ =	shalt  }
0x52: {  	_ =	shalt  }
0x53: {  	_ =	shalt  }
0x54: {  	_ =	shalt  }
0x55: {  	_ =	shalt  }
0x56: {  	_ =	shalt  }
0x57: {  	_ =	shalt  }
0x58: {  	_ =	shalt  }
0x59: {  	_ =	shalt  }
0x5a: {  	_ =	shalt  }
0x5b: {  	_ =	shalt  }
0x5c: {  	_ =	shalt  }
0x5d: {  	_ =	shalt  }
0x5e: {  	_ =	shalt  }
0x5f: {  	_ =	shalt  }
0x60: {  	_ =	shalt  }
0x61: {  	_ =	shalt  }
0x62: {  	_ =	shalt  }
0x63: {  	_ =	shalt  }
0x64: {  	_ =	shalt  }
0x65: {  	_ =	shalt  }
0x66: {  	_ =	shalt  }
0x67: {  	_ =	shalt  }
0x68: {  	_ =	shalt  }
0x69: {  	_ =	shalt  }
0x6a: {  	_ =	shalt  }
0x6b: {  	_ =	shalt  }
0x6c: {  	_ =	shalt  }
0x6d: {  	_ =	shalt  }
0x6e: {  	_ =	shalt  }
0x6f: {  	_ =	shalt  }
0x70: {  	_ =	shalt  }
0x71: {  	_ =	shalt  }
0x72: {  	_ =	shalt  }
0x73: {  	_ =	shalt  }
0x74: {  	_ =	shalt  }
0x75: {  	_ =	shalt  }
0x76: {  	_ =	shalt  }
0x77: {  	_ =	shalt  }
0x78: {  	_ =	shalt  }
0x79: {  	_ =	shalt  }
0x7a: {  	_ =	shalt  }
0x7b: {  	_ =	shalt  }
0x7c: {  	_ =	shalt  }
0x7d: {  	_ =	shalt  }
0x7e: {  	_ =	shalt  }
0x7f: {  	_ =	shalt  }
0x80: {  	_ =	shalt  }
0x81: {  	_ =	shalt  }
0x82: {  	_ =	shalt  }
0x83: {  	_ =	shalt  }
0x84: {  	_ =	shalt  }
0x85: {  	_ =	shalt  }
0x86: {  	_ =	shalt  }
0x87: {  	_ =	shalt  }
.Lfunc_end0:
.L_simem_size_0:
called_computation.1_lowered:
.L_overlay_start_0:
0x88: {  	s2 =	sld [smem:$0x3FD9]  }
0x89: {  	s3 =	sld [smem:$0x3FFE];
	_ =	sdelay $0x1  }
0x8a: {  	s1 =	srdreg.scid  }
0x8b: {  	s0 =	sand.u32 $0x1, s1  }
0x8c: {  	s16 =	sshll.u32 s0, $0xA;
	s2 =	sadd.s32 s3, s2  }
0x8d: {  	s2 =	sadd.s32 s2, s16  }
0x8e: {  	[smem:$0x3FBD] =	sst s2  }
0x8f: {  	_ = 	snop  }
0x90: {  	(tm) =	ssettm $0x1  }
0x91: {  	s17 =	sld [smem:$0x3FFB];
	_ =	sdelay $0x3  }
0x92: {  	_ =	strace s17  }
0x93: {  	s2 =	sld [smem:$0x3FFC];
	_ =	sdelay $0x3  }
0x94: {  	_ =	strace s2  }
0x95: {  	s2 =	sld [smem:$0x3FFD];
	_ =	sdelay $0x3  }
0x96: {  	_ =	strace s2  }
0x97: {  	_ =	strace $0x8FFFFFFF  }
0x98: {  	s18 =	sld [smem:$0x3FDB];
	_ =	sdelay $0x1  }
0x99: {  	s19 =	simm.s32 $_scs_section_size  }
0x9a: {  	s4 =	simm.s32 $_size__tile_overlayer_lowered;
	s5 =	simm.s32 $_tile_overlayer_lowered  }
0x9b: {  	s22 =	simm.s32 $0x1BFF;
	s21 =	sshll.u32 s5, $0x1;
	s2 =	sadd.s32 s19, s18  }
0x9c: {  	s6 =	simm.s32 $0x0;
	s20 =	sshll.u32 s4, $0x1;
	s4 =	sadd.s32 s21, s2  }
0x9d: {  	[timem:s6], [sflag:s22] =	dma.local [hbm:s4], s20  }
0x9e: {  	_ =	swait.ge [sflag:s22], s20  }
0x9f: {  	s3 =	ssub.s32 $0x0, s20;
	[sflag:s22] =	ssyncset.done $0x0  }
0xa0: {  	[sflag:s22] =	ssyncadd.s32 s3;
	_ =	sdelay $0x1  }
0xa1: {  	s23 =	simm.s32 $0x1B8B  }
0xa2: {  	_ =	swait.ge [sflag:s23], $0x1  }
0xa3: {  	[sflag:s23] =	ssyncset.done $0x0  }
0xa4: {  	s25 =	simm.s32 $0x1B8E;
	s24 =	sld [smem:$0x3FFE];
	[sflag:s23] =	ssyncadd.s32 $0xFFFFFFFF  }
0xa5: {  	s26 =	simm.s32 $execute0_lowered;
	[smem:$0x3FD2] =	sst s25  }
0xa6: {  	s4 =	sshll.u32 s26, $0x1;
	_ =	strace $0x80000049;
	[dreg:$0x1] =	wrdreg $0xFFFFFFFF  }
0xa7: {  	s28 =	simm.s32 $_size_execute0_lowered;
	s2 =	sadd.s32 s2, s4;
	[dreg:$0x0] =	wrdreg $0x0  }
0xa8: {  	s4 =	sshll.u32 s28, $0x1;
	[dreg:$0x2] =	wrdreg s2  }
0xa9: {  	[dreg:$0x3] =	wrdreg s4  }
0xaa: {  	[dreg:$0x4] =	wrdreg $0xC0  }
0xab: {  	_ =	task [dreg:s6], $0x5FFFF  }
0xac: {  	[dreg:$0x1] =	wrdreg $0xFFFFFFFF  }
0xad: {  	[dreg:$0x0] =	wrdreg $0x60  }
0xae: {  	[dreg:$0x2] =	wrdreg s24  }
0xaf: {  	[dreg:$0x3] =	wrdreg $0x9  }
0xb0: {  	_ =	task.clear_ibuf [dreg:s6], $0x4FFFF;
	_ =	strace $0x90000049  }
0xb1: {  	s29 =	simm.s32 $0x9;
	_ =	strace $0x8000004B  }
0xb2: {  	_ =	swait.ge [sflag:s29], $0x1  }
0xb3: {  	[sflag:s29] =	ssyncadd.s32 $0xFFFFFFFF  }
0xb4: {  	_ =	strace $0x9000004B  }
0xb5: {  	_ =	sfence  }
0xb6: {  	s30 =	sld [smem:$0x0];
	_ =	sdelay $0x2  }
0xb7: {  	s31 =	sshll.u32 s1, $0xD;
	s1 =	sshrl.u32 s1, $0x2  }
0xb8: {  	s3 =	sand.u32 $0x4000, s31;
	s1 =	sadd.s32 s1, s30  }
0xb9: {  	s0 =	sor.u32 s3, s0;
	s1 =	sshll.u32 s1, $0x11  }
0xba: {  	s0 =	sor.u32 s1, s0  }
0xbb: {  	s0 =	sadd.s32 $0x8F2B, s0  }
0xbc: {  	[sflag:s0] =	ssyncadd.remote.s32 $0x1  }
0xbd: {  	_ =	sfence.sel $0xFFFF  }
0xbe: {  	[dreg:$0x0] =	wrdreg $0xFFFFFFFF;
	(pc) =	sbr.abs _section_cstart, $3  }
0xbf: {  	[dreg:$0x1] =	wrdreg $0xFFFFFFFF  }
0xc0: {  	_ =	task.clear_ibuf [dreg:s6], $0x2FFFF;
	_ =	strace $0x9FFFFFFF  }
0xc1: {  	(tm) =	ssettm $0x7FFFFFFF  }
tec
execute0_lowered:
.L_overlay_start_1:
0x0: {  	(tag) =	ssettag $0x1  }
0x1: {  	s0 =	stileid.u32;
	s1 =	srdreg.scid  }
0x2: {  	s1 =	sand.u32 $0x1, s1;
	s2 =	sshll.u32 s0, $0x1  }
0x3: {  	s1 =	sor.u32 s2, s1  }
0x4: {  	s2 =	smul.u32 $0x1390, s1;
	_ =	sdelay $0x1  }
0x5: {  	s6 =	ssub.s32 $0x4E400, s2  }
0x6: {  	s31 =	smulhi.u32 $0x68B0B, s6  }
0x7: {  	s8 =	rddreg [dreg:$0x0];
	s5 =	simm.s32 $0x1;
	s10 =	simm.s32 $0x3  }
0x8: {  	s13 =	simm.s32 $0x0;
	s12 =	simm.s32 $0x0;
	s7 =	sshrl.u32 s31, $0x4  }
0x9: {  	s3 =	sadd.s32 $0x21000, s8;
	s4 =	sadd.s32 $0xEA00, s8;
	s9 =	smul.u32 $0x27200, s7  }
.Ltmp0:
0xa: {  	s8 =	sadd.s32 $0x2B000, s8;
	s1 =	rddreg [dreg:$0x1];
	(pc) =	sbr.rel .LBB2_1-.Ltmp0, $4  }
0xb: {  	_ =	strace $0x8000004A;
	p0 =	sne.s32 s6, s9;
	s9 =	simm.s32 $0x1  }
0xc: {  	[sflag:s5] =	ssyncpa.u1 $0x0;
	s6 =	simm.s32 $0x2;
	s9 =	simm.s32 @!p0 $0x0  }
0xd: {  	s11 =	smov.u32 s2;
	[sflag:s6] =	ssyncpa.u1 $0x0;
	s7 =	sadd.s32 s9, s7  }
0xe: {  	vm0 =	vmmov $0xffff;
	[sflag:s10] =	ssyncpa.u1 $0x0;
	s10 =	simm.s32 $0x0;
	s9 =	sadd.s32 $0x1, s7  }
.LBB2_4:
0xf: {  	v2 =	vnsel vm1, $0x0, v2  }
0x10: {  	vm1 =	vgt.s32 v0, $0x0;
	v2 =	vmin.u32 v2, $0x4E3FF  }
0x11: {  	v0 =	vnsel vm1, $0x0, v0  }
0x12: {  	v0 =	vmin.u32 v0, $0x4E3FF  }
0x13: {  	[tilespmem:s18], [sflag:$0x1] =	stream.indirect_vreg.gather [hbm4b:s3+s10], $0x1, v1, vm0, $0x4038;
	[tilespmem:$0x4E40] =	vst v63  }
0x14: {  	(ifvalue) =	ssetifvalue $0x7FFFFFFF  }
0x15: {  	[tilespmem:s15], [sflag:$0x1] =	stream.indirect_vreg.gather [hbm4b:s3+s10], $0x1, v2, vm0, $0x4038;
	[tilespmem:$0x4E40] =	vst v63  }
0x16: {  	s29 =	sadd.s32 $0x10, s15;
	(ifvalue) =	ssetifvalue $0x7FFFFFFF  }
0x17: {  	[tilespmem:s29], [sflag:$0x1] =	stream.indirect_vreg.gather [hbm4b:s3+s10], $0x1, v0, vm0, $0x4038;
	[tilespmem:$0x4E40] =	vst v63  }
0x18: {  	_ =	swait.ge [sflag:s5], $0x1390  }
0x19: {  	s30 =	sshrl.u32 s13, $0x3;
	[sflag:s5] =	ssyncset.done $0x0  }
0x1a: {  	s31 =	sand.u32 $0x7, s13;
	s15 =	sadd.s32 s8, s30;
	[sflag:s5] =	ssyncadd.s32 $0xFFFFEC70  }
0x1b: {  	[hbm4b:s15+s31] =	stream.linear.scatter [tilespmem:s14], [sflag:$0x3], $0x1390, $0x38;
	[tilespmem:$0x4E40] =	vst v63  }
.LBB2_5:
0x1c: {  	s15 =	sadd.s32 $0x27200, s11  }
0x1d: {  	p1 =	sgt.s32 s15, $0x4E3FF  }
0x1e: {  	s15 =	smov.u32 @p1 s2;
	p1 =	sne.s32 s12, s9  }
.Ltmp1:
0x1f: {  	p0 =	slt.u32 s12, $0x2;
	(pc) =	sbr.rel @!p1 .LBB2_6-.Ltmp1, $4  }
0x20: {  	s14 =	simm.s32 @!p0 $0x3  }
0x21: {  	_ =	swait.ge @!p0 [sflag:s14], $0x1390  }
0x22: {  	s16 =	sadd.s32 $0x1, s12;
	s13 =	smov.u32 s11;
	[sflag:s14] =	ssyncset.done @!p0 $0x0  }
0x23: {  	s12 =	smov.u32 s16;
	s11 =	smov.u32 s15;
	[sflag:s14] =	ssyncadd.s32 @!p0 $0xFFFFEC70  }
.LBB2_1:
0x24: {  	p0 =	sge.u32 s12, s7  }
0x25: {  	s14 =	sxor.u32 @!p0 $0xFFFFFFFF, s12  }
0x26: {  	s14 =	sand.u32 @!p0 $0x1, s14  }
0x27: {  	s14 =	smul.u32 @!p0 $0x4E40, s14  }
0x28: {  	s31 =	sadd.s32 $0xFFFFFFFF, s12;
	s15 =	sshrl.u32 @!p0 s11, $0x3  }
0x29: {  	s16 =	sand.u32 @!p0 $0x7, s11;
	s15 =	sadd.s32 @!p0 s4, s15;
	s14 =	sshrl.u32 @!p0 s14, $0x2  }
0x2a: {  	[tilespmem:s14], [sflag:$0x2] =	stream.linear.gather @!p0 [hbm4b:s15+s16], $0x1390, $0x38;
	[tilespmem:$0x4E40] =	vst v63  }
0x2b: {  	p0 =	sge.u32 s31, s7  }
.Ltmp2:
0x2c: {  	_ = 	snop;
	(pc) =	sbr.rel @p0 .LBB2_5-.Ltmp2, $1  }
0x2d: {  	_ =	sdelay $0x3  }
0x2e: {  	s14 =	sand.u32 $0x1, s12  }
0x2f: {  	_ =	swait.ge [sflag:s6], $0x1390;
	p0 =	seq.s32 s14, $0x1;
	s14 =	simm.s32 $0x1390  }
0x30: {  	[sflag:s6] =	ssyncset.done $0x0;
	s14 =	simm.s32 @!p0 $0x0  }
0x31: {  	[sflag:s6] =	ssyncadd.s32 $0xFFFFEC70;
	(ifvalue) =	ssetifvalue $0x7FFFFFFF;
	v0 =	vld.msk [tilespmem:s14+$0x0 ss:$0x1], $0xffff;
	_ =	sdelay $0x4  }
0x32: {  	s15 =	sadd.s32 $0x10, s14;
	vm1 =	vgt.s32 v0, $0x0  }
0x33: {  	v2 =	vld.msk [tilespmem:s15+$0x0 ss:$0x1], $0xffff;
	v1 =	vnsel vm1, $0x0, v0  }
0x34: {  	v1 =	vmin.u32 v1, $0x4E3FF;
	_ =	sdelay $0x2  }
0x35: {  	s17 =	simm.s32 $0x20;
	s14 =	sadd.s32 $0x2720, s14;
	s16 =	sadd.s32 $0x10, s15  }
0x36: {  	s15 =	sadd.s32 $0x10, s14;
	s18 =	smov.u32 s14;
	v0 =	vld.msk [tilespmem:s16+$0x0 ss:$0x1], $0xffff;
	vm1 =	vgt.s32 v2, $0x0;
	(ifvalue) =	ssetifvalue $0x7FFFFFFF  }
.LBB2_3:
0x37: {  	[tilespmem:s18], [sflag:$0x1] =	stream.indirect_vreg.gather [hbm4b:s3+s10], $0x1, v1, vm0, $0x4038;
	[tilespmem:$0x4E40] =	vst v63  }
0x38: {  	s17 =	sadd.s32 $0x10, s17  }
0x39: {  	v2 =	vnsel vm1, $0x0, v2;
	p0 =	slt.u32 s17, $0x1380  }
.Ltmp3:
0x3a: {  	s18 =	smov.u32 s15;
	v1 =	vmin.u32 v2, $0x4E3FF;
	(pc) =	sbr.rel @p0 .LBB2_3-.Ltmp3, $3  }
0x3b: {  	_ =	sdelay $0x1  }
0x3c: {  	s16 =	sadd.s32 $0x10, s16  }
0x3d: {  	vm1 =	vgt.s32 v0, $0x0;
	s15 =	sadd.s32 $0x10, s15;
	v2 =	vmov v0;
	(ifvalue) =	ssetifvalue $0x7FFFFFFF;
	v0 =	vld.msk [tilespmem:s16+$0x0 ss:$0x1], $0xffff  }
.Ltmp4:
0x3e: {  	_ = 	snop;
	(pc) =	sbr.rel .LBB2_4-.Ltmp4, $1  }
0x3f: {  	_ =	sdelay $0x3  }
.LBB2_6:
0x40: {  	_ =	sfence.sel $0x180000  }
0x41: {  	s2 =	simm.s32 $0x2;
	[bflag:$0x0] =	sbarrier.arrive $0xFFFF  }
0x42: {  	s30 =	simm.s32 $0x3;
	[sflag:s2] =	ssyncpa.u1 $0x1  }
0x43: {  	s31 =	simm.s32 $0x1;
	[sflag:s30] =	ssyncpa.u1 $0x1  }
0x44: {  	[sflag:s31] =	ssyncpa.u1 $0x1  }
0x45: {  	p0 =	sne.s32 s0, $0x0;
	_ =	strace $0x9000004A  }
0x46: {  	s0 =	sadd.s32 @!p0 $0x100000, s1;
	[bflag:$0x2] =	sbarrier.arrive $0xFFFF  }
0x47: {  	[sflag:s0] =	ssyncadd.tile.s32 @!p0 $0x1;
	_ =	shalt  }
.Lfunc_end2:
_tile_overlayer_lowered:
.L_overlay_start_2:
0x48: {  	(tag) =	ssettag $0x2  }
0x49: {  	s0 =	rddreg [dreg:$0x0];
	s2 =	stileid.u32  }
0x4a: {  	s1 =	rddreg [dreg:$0x1];
	p0 =	sne.s32 s2, $0x0  }
0x4b: {  	s3 =	rddreg [dreg:$0x2];
	[bflag:$0x3] =	sbarrier.arrive $0xFFFF;
	s2 =	simm.s32 @!p0 $0x1C01  }
0x4c: {  	[timem:s3], [sflag:s2] =	dma.local @!p0 [hbm:s0], s1  }
0x4d: {  	s0 =	simm.s32 @!p0 $0x1  }
0x4e: {  	_ =	swait.ge @!p0 [sflag:s0], s1  }
0x4f: {  	s1 =	ssub.s32 @!p0 $0x0, s1;
	[sflag:s0] =	ssyncset.done @!p0 $0x0  }
0x50: {  	[sflag:s0] =	ssyncadd.s32 @!p0 s1  }
0x51: {  	[bflag:$0x3] =	sbarrier.arrive $0xFFFF  }
0x52: {  	_ =	shalt  }

// kernel: gather_offload_async_start
scs
__scs_entry_jumppad:
0x0: {  	(pc) =	sbr.rel $0x88, $3  }
0x1: {  	(tag) =	ssettag $0x0;
	lr =	simm.s32 $0x1  }
0x2: {  	[smem:$0x3F96] =	sst lr;
	_ =	strace $0xD0000000  }
0x3: {  	_ = 	snop  }
0x4: {  	_ = 	snop  }
0x5: {  	_ = 	snop  }
0x6: {  	_ = 	snop  }
0x7: {  	_ = 	snop  }
__scs_overlays_trampoline_lowered:
0x8: {  	[smem:$0x3FA5] =	sst s0  }
0x9: {  	[smem:$0x3FA6] =	sst s1  }
0xa: {  	[smem:$0x3FA7] =	sst s2  }
0xb: {  	[smem:$0x3FA8] =	sst s3  }
0xc: {  	[smem:$0x3FA9] =	sst s4  }
0xd: {  	[smem:$0x3FAA] =	sst s5  }
0xe: {  	[smem:$0x3FAB] =	sst s6  }
0xf: {  	[smem:$0x3FAC] =	sst s7  }
0x10: {  	[smem:$0x3FAD] =	sst s8  }
0x11: {  	[smem:$0x3FAE] =	sst s9;
	s0 =	simm.s32 @!p0 $0x0  }
0x12: {  	s1 =	sld [smem:$0x3F94];
	s0 =	simm.s32 @p0 $0x1  }
0x13: {  	[smem:$0x3FAF] =	sst s0;
	s0 =	simm.s32 @!p1 $0x0  }
0x14: {  	s2 =	sld [smem:$0x3F93];
	s0 =	simm.s32 @p1 $0x1  }
0x15: {  	[smem:$0x3FB0] =	sst s0;
	s0 =	simm.s32 @!p2 $0x0  }
0x16: {  	s3 =	sld [smem:$0x3FDB];
	s0 =	simm.s32 @p2 $0x1  }
0x17: {  	s4 =	simm.s32 $0x1BF5;
	[smem:$0x3FB2] =	sst s0  }
0x18: {  	s0 =	sld [smem:$0x3F95];
	_ =	swait.ge [sflag:s4], $0x0  }
0x19: {  	s7 =	sld [smem:$0x3F96]  }
0x1a: {  	s8 =	sadd.s32 $0xFFFFE003, lr  }
0x1b: {  	s9 =	sadd.s32 $0xFFFFFEF7, lr;
	s5 =	simm.s32 $0xFFFFFFFF;
	p2 =	slt.u32 s8, $0xFFFFF086  }
0x1c: {  	p1 =	slt.u32 s9, $0xF7A;
	s5 =	simm.s32 @!p2 $0x0  }
0x1d: {  	s5 =	simm.s32 @p1 $0x1;
	p0 =	seq.s32 s7, s2  }
0x1e: {  	s7 =	smul.u32 @!p0 $0xF7A, s2;
	p2 =	seq.s32 @!p0 s5, $0x0  }
0x1f: {  	s9 =	smul.u32 $0xF7A, s1;
	s8 =	simm.s32 @!p0 $0x1BF5;
	p2 =	por !p2, p0  }
0x20: {  	[sflag:s8] =	ssyncset.s32 @!p0 $0xFFFFF086;
	s6 =	sadd.s32 @!p0 s3, s7;
	s7 =	simm.s32 @!p0 $0x108  }
0x21: {  	s3 =	sadd.s32 s3, s9;
	s6 =	sadd.s32 @!p0 $0x88, s6;
	s7 =	simm.s32 @p2 $0x1082  }
0x22: {  	[simem:s7], [sflag:s8] =	dma.local @!p0 [hbm:s6], $0xF7A  }
0x23: {  	s9 =	sor.u32 $0xD0000000, s2;
	s6 =	simm.s32 $0x108;
	_ =	swait.ge @!p0 [sflag:s8], $0x0  }
0x24: {  	s3 =	sadd.s32 $0x88, s3;
	s6 =	simm.s32 @!p1 $0x1082;
	[sflag:s4] =	ssyncset.s32 $0xFFFFF086  }
0x25: {  	[simem:s6], [sflag:s4] =	dma.local [hbm:s3], $0xF7A  }
0x26: {  	[smem:$0x3F96] =	sst s1;
	(tag) =	ssettag s2;
	_ =	strace s9  }
0x27: {  	s1 =	sld [smem:$0x3FA6]  }
0x28: {  	s2 =	sld [smem:$0x3FA7]  }
0x29: {  	s4 =	sld [smem:$0x3FA9]  }
0x2a: {  	p0 =	seq.s32 s5, $0x0;
	s5 =	sld [smem:$0x3FAA]  }
0x2b: {  	s6 =	sld [smem:$0x3FAB]  }
0x2c: {  	s7 =	sld [smem:$0x3FAC]  }
0x2d: {  	s3 =	simm.s32 $0x108;
	s8 =	sld [smem:$0x3FAD]  }
0x2e: {  	s3 =	simm.s32 @!p0 $0x1082;
	s9 =	sld [smem:$0x3FAE]  }
0x2f: {  	lr =	sadd.s32 s0, s3;
	s0 =	sld [smem:$0x3FA5]  }
0x30: {  	s3 =	sld [smem:$0x3FA8]  }
0x31: {  	[smem:$0x3FB1] =	sst s10  }
0x32: {  	s10 =	sld [smem:$0x3FAF];
	_ =	sdelay $0x3  }
0x33: {  	p0 =	seq.s32 s10, $0x1;
	s10 =	sld [smem:$0x3FB1];
	_ =	sdelay $0x3  }
0x34: {  	[smem:$0x3FB1] =	sst s10  }
0x35: {  	s10 =	sld [smem:$0x3FB0];
	_ =	sdelay $0x3  }
0x36: {  	p1 =	seq.s32 s10, $0x1;
	s10 =	sld [smem:$0x3FB1];
	_ =	sdelay $0x3  }
0x37: {  	[smem:$0x3FB1] =	sst s10  }
0x38: {  	s10 =	sld [smem:$0x3FB2]  }
0x39: {  	_ = 	snop;
	(pc) =	sbr.ind lr, $3  }
0x3a: {  	_ = 	snop  }
0x3b: {  	_ = 	snop  }
0x3c: {  	p2 =	seq.s32 s10, $0x1;
	s10 =	sld [smem:$0x3FB1]  }
0x3d: {  	_ =	shalt  }
0x3e: {  	_ =	shalt  }
0x3f: {  	_ =	shalt  }
0x40: {  	_ =	shalt  }
0x41: {  	_ =	shalt  }
0x42: {  	_ =	shalt  }
0x43: {  	_ =	shalt  }
0x44: {  	_ =	shalt  }
0x45: {  	_ =	shalt  }
0x46: {  	_ =	shalt  }
0x47: {  	_ =	shalt  }
0x48: {  	_ =	shalt  }
0x49: {  	_ =	shalt  }
0x4a: {  	_ =	shalt  }
0x4b: {  	_ =	shalt  }
0x4c: {  	_ =	shalt  }
0x4d: {  	_ =	shalt  }
0x4e: {  	_ =	shalt  }
0x4f: {  	_ =	shalt  }
0x50: {  	_ =	shalt  }
0x51: {  	_ =	shalt  }
0x52: {  	_ =	shalt  }
0x53: {  	_ =	shalt  }
0x54: {  	_ =	shalt  }
0x55: {  	_ =	shalt  }
0x56: {  	_ =	shalt  }
0x57: {  	_ =	shalt  }
0x58: {  	_ =	shalt  }
0x59: {  	_ =	shalt  }
0x5a: {  	_ =	shalt  }
0x5b: {  	_ =	shalt  }
0x5c: {  	_ =	shalt  }
0x5d: {  	_ =	shalt  }
0x5e: {  	_ =	shalt  }
0x5f: {  	_ =	shalt  }
0x60: {  	_ =	shalt  }
0x61: {  	_ =	shalt  }
0x62: {  	_ =	shalt  }
0x63: {  	_ =	shalt  }
0x64: {  	_ =	shalt  }
0x65: {  	_ =	shalt  }
0x66: {  	_ =	shalt  }
0x67: {  	_ =	shalt  }
0x68: {  	_ =	shalt  }
0x69: {  	_ =	shalt  }
0x6a: {  	_ =	shalt  }
0x6b: {  	_ =	shalt  }
0x6c: {  	_ =	shalt  }
0x6d: {  	_ =	shalt  }
0x6e: {  	_ =	shalt  }
0x6f: {  	_ =	shalt  }
0x70: {  	_ =	shalt  }
0x71: {  	_ =	shalt  }
0x72: {  	_ =	shalt  }
0x73: {  	_ =	shalt  }
0x74: {  	_ =	shalt  }
0x75: {  	_ =	shalt  }
0x76: {  	_ =	shalt  }
0x77: {  	_ =	shalt  }
0x78: {  	_ =	shalt  }
0x79: {  	_ =	shalt  }
0x7a: {  	_ =	shalt  }
0x7b: {  	_ =	shalt  }
0x7c: {  	_ =	shalt  }
0x7d: {  	_ =	shalt  }
0x7e: {  	_ =	shalt  }
0x7f: {  	_ =	shalt  }
0x80: {  	_ =	shalt  }
0x81: {  	_ =	shalt  }
0x82: {  	_ =	shalt  }
0x83: {  	_ =	shalt  }
0x84: {  	_ =	shalt  }
0x85: {  	_ =	shalt  }
0x86: {  	_ =	shalt  }
0x87: {  	_ =	shalt  }
.Lfunc_end0:
.L_simem_size_0:
called_computation_lowered:
.L_overlay_start_0:
0x88: {  	s2 =	sld [smem:$0x3FD9]  }
0x89: {  	s3 =	sld [smem:$0x3FFE];
	_ =	sdelay $0x1  }
0x8a: {  	s1 =	srdreg.scid  }
0x8b: {  	s0 =	sand.u32 $0x1, s1  }
0x8c: {  	s17 =	sshll.u32 s0, $0xA;
	s2 =	sadd.s32 s3, s2  }
0x8d: {  	s2 =	sadd.s32 s2, s17  }
0x8e: {  	[smem:$0x3FBD] =	sst s2  }
0x8f: {  	_ = 	snop  }
0x90: {  	s2 =	sld [smem:$0x3FD0];
	(tm) =	ssettm $0x1  }
0x91: {  	s18 =	sld [smem:$0x3FFB];
	_ =	sdelay $0x3  }
0x92: {  	_ =	strace s18  }
0x93: {  	s3 =	sld [smem:$0x3FFC];
	_ =	sdelay $0x3  }
0x94: {  	_ =	strace s3  }
0x95: {  	s3 =	sld [smem:$0x3FFD];
	_ =	sdelay $0x3  }
0x96: {  	_ =	strace s3  }
0x97: {  	_ =	strace $0x8FFFFFFF  }
0x98: {  	s19 =	sld [smem:$0x3FDB];
	_ =	sdelay $0x1  }
0x99: {  	s4 =	simm.s32 $_scs_section_size  }
0x9a: {  	s5 =	simm.s32 $_size__tile_overlayer_lowered;
	s6 =	simm.s32 $_tile_overlayer_lowered  }
0x9b: {  	s22 =	simm.s32 $0x1BFF;
	s21 =	sshll.u32 s6, $0x1;
	s3 =	sadd.s32 s4, s19  }
0x9c: {  	s7 =	simm.s32 $0x0;
	s20 =	sshll.u32 s5, $0x1;
	s5 =	sadd.s32 s21, s3  }
0x9d: {  	[timem:s7], [sflag:s22] =	dma.local [hbm:s5], s20  }
0x9e: {  	_ =	swait.ge [sflag:s22], s20  }
0x9f: {  	s4 =	ssub.s32 $0x0, s20;
	[sflag:s22] =	ssyncset.done $0x0  }
0xa0: {  	[sflag:s22] =	ssyncadd.s32 s4;
	_ =	sdelay $0x1  }
0xa1: {  	s23 =	simm.s32 $0x1B8B  }
0xa2: {  	_ =	swait.ge [sflag:s23], $0x1  }
0xa3: {  	[sflag:s23] =	ssyncset.done $0x0  }
0xa4: {  	s25 =	simm.s32 $0x1B8E;
	s24 =	sld [smem:$0x3FFE];
	[sflag:s23] =	ssyncadd.s32 $0xFFFFFFFF  }
0xa5: {  	s26 =	simm.s32 $execute0_lowered;
	[smem:$0x3FD2] =	sst s25  }
0xa6: {  	s5 =	sshll.u32 s26, $0x1;
	_ =	strace $0x80000046;
	[dreg:$0x1] =	wrdreg $0xFFFFFFFF  }
0xa7: {  	s28 =	simm.s32 $_size_execute0_lowered;
	s3 =	sadd.s32 s3, s5;
	[dreg:$0x0] =	wrdreg $0x0  }
0xa8: {  	s5 =	sshll.u32 s28, $0x1;
	[dreg:$0x2] =	wrdreg s3  }
0xa9: {  	[dreg:$0x3] =	wrdreg s5  }
0xaa: {  	[dreg:$0x4] =	wrdreg $0xC0  }
0xab: {  	_ =	task [dreg:s7], $0x5FFFF  }
0xac: {  	[dreg:$0x1] =	wrdreg $0xFFFFFFFF  }
0xad: {  	[dreg:$0x0] =	wrdreg $0x60  }
0xae: {  	[dreg:$0x2] =	wrdreg s2  }
0xaf: {  	[dreg:$0x3] =	wrdreg s24  }
0xb0: {  	[dreg:$0x4] =	wrdreg $0x9  }
0xb1: {  	_ =	task.clear_ibuf [dreg:s7], $0x5FFFF;
	_ =	strace $0x90000046  }
0xb2: {  	s29 =	simm.s32 $0x9;
	_ =	strace $0x80000048  }
0xb3: {  	_ =	swait.ge [sflag:s29], $0x1  }
0xb4: {  	[sflag:s29] =	ssyncadd.s32 $0xFFFFFFFF  }
0xb5: {  	_ =	strace $0x90000048  }
0xb6: {  	_ =	sfence  }
0xb7: {  	s30 =	sld [smem:$0x0];
	_ =	sdelay $0x2  }
0xb8: {  	s31 =	sshll.u32 s1, $0xD;
	s1 =	sshrl.u32 s1, $0x2  }
0xb9: {  	s3 =	sand.u32 $0x4000, s31;
	s1 =	sadd.s32 s1, s30  }
0xba: {  	s0 =	sor.u32 s3, s0;
	s1 =	sshll.u32 s1, $0x11  }
0xbb: {  	s0 =	sor.u32 s1, s0  }
0xbc: {  	s0 =	sadd.s32 $0x8F2B, s0  }
0xbd: {  	[sflag:s0] =	ssyncadd.remote.s32 $0x1  }
0xbe: {  	_ =	sfence.sel $0xFFFF  }
0xbf: {  	[dreg:$0x0] =	wrdreg $0xFFFFFFFF;
	(pc) =	sbr.abs _section_cstart, $3  }
0xc0: {  	[dreg:$0x1] =	wrdreg $0xFFFFFFFF  }
0xc1: {  	_ =	task.clear_ibuf [dreg:s7], $0x2FFFF;
	_ =	strace $0x9FFFFFFF  }
0xc2: {  	(tm) =	ssettm $0x7FFFFFFF  }
0xc3: {  	_ =	shalt  }
tec
execute0_lowered:
.L_overlay_start_1:
0x0: {  	(tag) =	ssettag $0x1  }
0x1: {  	s0 =	stileid.u32;
	s1 =	srdreg.scid  }
0x2: {  	s1 =	sand.u32 $0x1, s1;
	s2 =	sshll.u32 s0, $0x1  }
0x3: {  	s1 =	sor.u32 s2, s1  }
0x4: {  	s2 =	smul.u32 $0x1390, s1;
	_ =	sdelay $0x1  }
0x5: {  	s6 =	ssub.s32 $0x4E400, s2  }
0x6: {  	s3 =	rddreg [dreg:$0x0];
	s31 =	smulhi.u32 $0x68B0B, s6  }
0x7: {  	s8 =	rddreg [dreg:$0x1];
	s5 =	simm.s32 $0x1  }
0x8: {  	s10 =	simm.s32 $0x3;
	s13 =	simm.s32 $0x0;
	s7 =	sshrl.u32 s31, $0x4  }
0x9: {  	s12 =	simm.s32 $0x0;
	s4 =	sadd.s32 $0xEA00, s8;
	s9 =	smul.u32 $0x27200, s7  }
.Ltmp0:
0xa: {  	s8 =	sadd.s32 $0x2B000, s8;
	s1 =	rddreg [dreg:$0x2];
	(pc) =	sbr.rel .LBB2_1-.Ltmp0, $4  }
0xb: {  	_ =	strace $0x80000047;
	p0 =	sne.s32 s6, s9;
	s9 =	simm.s32 $0x1  }
0xc: {  	[sflag:s5] =	ssyncpa.u1 $0x0;
	s6 =	simm.s32 $0x2;
	s9 =	simm.s32 @!p0 $0x0  }
0xd: {  	s11 =	smov.u32 s2;
	[sflag:s6] =	ssyncpa.u1 $0x0;
	s7 =	sadd.s32 s9, s7  }
0xe: {  	vm0 =	vmmov $0xffff;
	[sflag:s10] =	ssyncpa.u1 $0x0;
	s10 =	simm.s32 $0x0;
	s9 =	sadd.s32 $0x1, s7  }
.LBB2_4:
0xf: {  	v2 =	vnsel vm1, $0x0, v2  }
0x10: {  	vm1 =	vgt.s32 v0, $0x0;
	v2 =	vmin.u32 v2, $0x4E3FF  }
0x11: {  	v0 =	vnsel vm1, $0x0, v0  }
0x12: {  	v0 =	vmin.u32 v0, $0x4E3FF  }
0x13: {  	[tilespmem:s18], [sflag:$0x1] =	stream.indirect_vreg.gather [hbm4b:s3+s10], $0x1, v1, vm0, $0x4038;
	[tilespmem:$0x4E40] =	vst v63  }
0x14: {  	(ifvalue) =	ssetifvalue $0x7FFFFFFF  }
0x15: {  	[tilespmem:s15], [sflag:$0x1] =	stream.indirect_vreg.gather [hbm4b:s3+s10], $0x1, v2, vm0, $0x4038;
	[tilespmem:$0x4E40] =	vst v63  }
0x16: {  	s29 =	sadd.s32 $0x10, s15;
	(ifvalue) =	ssetifvalue $0x7FFFFFFF  }
0x17: {  	[tilespmem:s29], [sflag:$0x1] =	stream.indirect_vreg.gather [hbm4b:s3+s10], $0x1, v0, vm0, $0x4038;
	[tilespmem:$0x4E40] =	vst v63  }
0x18: {  	_ =	swait.ge [sflag:s5], $0x1390  }
0x19: {  	s30 =	sshrl.u32 s13, $0x3;
	[sflag:s5] =	ssyncset.done $0x0  }
0x1a: {  	s31 =	sand.u32 $0x7, s13;
	s15 =	sadd.s32 s8, s30;
	[sflag:s5] =	ssyncadd.s32 $0xFFFFEC70  }
0x1b: {  	[hbm4b:s15+s31] =	stream.linear.scatter [tilespmem:s14], [sflag:$0x3], $0x1390, $0x38;
	[tilespmem:$0x4E40] =	vst v63  }
.LBB2_5:
0x1c: {  	s15 =	sadd.s32 $0x27200, s11  }
0x1d: {  	p1 =	sgt.s32 s15, $0x4E3FF  }
0x1e: {  	s15 =	smov.u32 @p1 s2;
	p1 =	sne.s32 s12, s9  }
.Ltmp1:
0x1f: {  	p0 =	slt.u32 s12, $0x2;
	(pc) =	sbr.rel @!p1 .LBB2_6-.Ltmp1, $4  }
0x20: {  	s14 =	simm.s32 @!p0 $0x3  }
0x21: {  	_ =	swait.ge @!p0 [sflag:s14], $0x1390  }
0x22: {  	s16 =	sadd.s32 $0x1, s12;
	s13 =	smov.u32 s11;
	[sflag:s14] =	ssyncset.done @!p0 $0x0  }
0x23: {  	s12 =	smov.u32 s16;
	s11 =	smov.u32 s15;
	[sflag:s14] =	ssyncadd.s32 @!p0 $0xFFFFEC70  }
.LBB2_1:
0x24: {  	p0 =	sge.u32 s12, s7  }
0x25: {  	s14 =	sxor.u32 @!p0 $0xFFFFFFFF, s12  }
0x26: {  	s14 =	sand.u32 @!p0 $0x1, s14  }
0x27: {  	s14 =	smul.u32 @!p0 $0x4E40, s14  }
0x28: {  	s31 =	sadd.s32 $0xFFFFFFFF, s12;
	s15 =	sshrl.u32 @!p0 s11, $0x3  }
0x29: {  	s16 =	sand.u32 @!p0 $0x7, s11;
	s15 =	sadd.s32 @!p0 s4, s15;
	s14 =	sshrl.u32 @!p0 s14, $0x2  }
0x2a: {  	[tilespmem:s14], [sflag:$0x2] =	stream.linear.gather @!p0 [hbm4b:s15+s16], $0x1390, $0x38;
	[tilespmem:$0x4E40] =	vst v63  }
0x2b: {  	p0 =	sge.u32 s31, s7  }
.Ltmp2:
0x2c: {  	_ = 	snop;
	(pc) =	sbr.rel @p0 .LBB2_5-.Ltmp2, $1  }
0x2d: {  	_ =	sdelay $0x3  }
0x2e: {  	s14 =	sand.u32 $0x1, s12  }
0x2f: {  	_ =	swait.ge [sflag:s6], $0x1390;
	p0 =	seq.s32 s14, $0x1;
	s14 =	simm.s32 $0x1390  }
0x30: {  	[sflag:s6] =	ssyncset.done $0x0;
	s14 =	simm.s32 @!p0 $0x0  }
0x31: {  	[sflag:s6] =	ssyncadd.s32 $0xFFFFEC70;
	(ifvalue) =	ssetifvalue $0x7FFFFFFF;
	v0 =	vld.msk [tilespmem:s14+$0x0 ss:$0x1], $0xffff;
	_ =	sdelay $0x4  }
0x32: {  	s15 =	sadd.s32 $0x10, s14;
	vm1 =	vgt.s32 v0, $0x0  }
0x33: {  	v2 =	vld.msk [tilespmem:s15+$0x0 ss:$0x1], $0xffff;
	v1 =	vnsel vm1, $0x0, v0  }
0x34: {  	v1 =	vmin.u32 v1, $0x4E3FF;
	_ =	sdelay $0x2  }
0x35: {  	s17 =	simm.s32 $0x20;
	s14 =	sadd.s32 $0x2720, s14;
	s16 =	sadd.s32 $0x10, s15  }
0x36: {  	s15 =	sadd.s32 $0x10, s14;
	s18 =	smov.u32 s14;
	v0 =	vld.msk [tilespmem:s16+$0x0 ss:$0x1], $0xffff;
	vm1 =	vgt.s32 v2, $0x0;
	(ifvalue) =	ssetifvalue $0x7FFFFFFF  }
.LBB2_3:
0x37: {  	[tilespmem:s18], [sflag:$0x1] =	stream.indirect_vreg.gather [hbm4b:s3+s10], $0x1, v1, vm0, $0x4038;
	[tilespmem:$0x4E40] =	vst v63  }
0x38: {  	s17 =	sadd.s32 $0x10, s17  }
0x39: {  	v2 =	vnsel vm1, $0x0, v2;
	p0 =	slt.u32 s17, $0x1380  }
.Ltmp3:
0x3a: {  	s18 =	smov.u32 s15;
	v1 =	vmin.u32 v2, $0x4E3FF;
	(pc) =	sbr.rel @p0 .LBB2_3-.Ltmp3, $3  }
0x3b: {  	_ =	sdelay $0x1  }
0x3c: {  	s16 =	sadd.s32 $0x10, s16  }
0x3d: {  	vm1 =	vgt.s32 v0, $0x0;
	s15 =	sadd.s32 $0x10, s15;
	v2 =	vmov v0;
	(ifvalue) =	ssetifvalue $0x7FFFFFFF;
	v0 =	vld.msk [tilespmem:s16+$0x0 ss:$0x1], $0xffff  }
.Ltmp4:
0x3e: {  	_ = 	snop;
	(pc) =	sbr.rel .LBB2_4-.Ltmp4, $1  }
0x3f: {  	_ =	sdelay $0x3  }
.LBB2_6:
0x40: {  	_ =	sfence.sel $0x180000  }
0x41: {  	s2 =	simm.s32 $0x2;
	[bflag:$0x0] =	sbarrier.arrive $0xFFFF  }
0x42: {  	s30 =	simm.s32 $0x3;
	[sflag:s2] =	ssyncpa.u1 $0x1  }
0x43: {  	s31 =	simm.s32 $0x1;
	[sflag:s30] =	ssyncpa.u1 $0x1  }
0x44: {  	[sflag:s31] =	ssyncpa.u1 $0x1  }
0x45: {  	p0 =	sne.s32 s0, $0x0;
	_ =	strace $0x90000047  }
0x46: {  	s0 =	sadd.s32 @!p0 $0x100000, s1;
	[bflag:$0x2] =	sbarrier.arrive $0xFFFF  }
0x47: {  	[sflag:s0] =	ssyncadd.tile.s32 @!p0 $0x1;
	_ =	shalt  }
.Lfunc_end2:
_tile_overlayer_lowered:
.L_overlay_start_2:
0x48: {  	(tag) =	ssettag $0x2  }
0x49: {  	s0 =	rddreg [dreg:$0x0];
	s2 =	stileid.u32  }
0x4a: {  	s1 =	rddreg [dreg:$0x1];
	p0 =	sne.s32 s2, $0x0  }
0x4b: {  	s3 =	rddreg [dreg:$0x2];
	[bflag:$0x3] =	sbarrier.arrive $0xFFFF;
	s2 =	simm.s32 @!p0 $0x1C01  }
0x4c: {  	[timem:s3], [sflag:s2] =	dma.local @!p0 [hbm:s0], s1  }
0x4d: {  	s0 =	simm.s32 @!p0 $0x1  }
0x4e: {  	_ =	swait.ge @!p0 [sflag:s0], s1  }
0x4f: {  	s1 =	ssub.s32 @!p0 $0x0, s1;
	[sflag:s0] =	ssyncset.done @!p0 $0x0  }
0x50: {  	[sflag:s0] =	ssyncadd.s32 @!p0 s1  }
0x51: {  	[bflag:$0x3] =	sbarrier.arrive $0xFFFF  }
0x52: {  	_ =	shalt  }

</sc_bundles>
